<compile_context>
chip_gen: v7x
topology: tpu7x:2x2x1
jax: 0.10.2.dev20260603
libtpu: 0.0.44.dev20260713+nightly
codegen_flags: <defaults>
</compile_context>

<pallas_src>
import functools

import jax
import jax.numpy as jnp
from jax import lax
from jax.experimental import pallas as pl
from jax.experimental.pallas import tpu as pltpu
from jax.experimental.pallas import tpu_sc as plsc

_B = 2048
_G = 16
_NCAND = 160
_NEG = -3.0e38
_TOPK = 10


def _score_select_body(nb, n_keys, qt2, q_ref, k_ref, kid_ref, cm_scr):
    b = pl.program_id(0)
    kb = k_ref.shape[0]

    @pl.when(b < nb)
    def _score():
        qn = q_ref[...]
        kn = k_ref[...]
        s = lax.dot_general(qn, kn, (((1,), (1,)), ((), ())),
                            preferred_element_type=jnp.float32)
        col = lax.broadcasted_iota(jnp.int32, (1, kb), 1) + b * kb
        s = jnp.where(col < n_keys, s, _NEG)
        m = s[:, 0:128]
        for g in range(1, _G):
            m = jnp.maximum(m, s[:, g * 128:(g + 1) * 128])
        cm_scr[b] = m

    @pl.when(b >= nb)
    def _select():
        t = b - nb
        s = cm_scr[:, pl.ds(t * qt2, qt2), :]
        bi = lax.broadcasted_iota(jnp.int32, (nb, qt2, 128), 0)
        li = lax.broadcasted_iota(jnp.int32, (nb, qt2, 128), 2)
        cid = bi * 128 + li
        giota = lax.broadcasted_iota(jnp.int32, (1, _G), 1)
        big = 1 << 30
        for j in range(_TOPK):
            m = jnp.max(jnp.max(s, axis=0), axis=1, keepdims=True)
            m3 = m.reshape(1, qt2, 1)
            pos = jnp.min(jnp.min(jnp.where(s == m3, cid, big), axis=0),
                          axis=1, keepdims=True)
            blk = lax.shift_right_logical(pos, 7)
            lane = pos - blk * 128
            kid16 = blk * kb + lane + giota * 128
            kid_ref[:, j * _G:(j + 1) * _G] = kid16
            s = jnp.where(cid == pos.reshape(1, qt2, 1), _NEG, s)


def _sc_gather(kn_pad, kid):
    nq = kid.shape[0]
    d = kn_pad.shape[1]
    kid_flat = kid.reshape(nq * _NCAND)
    mesh = plsc.VectorSubcoreMesh(core_axis_name="c", subcore_axis_name="s")
    nw = 32
    qpw = nq // nw
    half = _NCAND // 2

    @functools.partial(
        pl.kernel,
        mesh=mesh,
        out_type=jax.ShapeDtypeStruct((nq, _NCAND, d), jnp.float32),
        scratch_types=[
            pltpu.VMEM((qpw * _NCAND,), jnp.int32),
            pltpu.VMEM((_NCAND, d), jnp.float32),
            pltpu.VMEM((_NCAND, d), jnp.float32),
            pltpu.VMEM((_NCAND, d), jnp.float32),
            pltpu.VMEM((_NCAND, d), jnp.float32),
            pltpu.SemaphoreType.DMA,
            pltpu.SemaphoreType.DMA,
        ],
    )
    def gather_kernel(kn_hbm, kid_hbm, out_hbm, idv, rows0, rows1, rows2,
                      rows3, semg, semo):
        wid = lax.axis_index("s") * 2 + lax.axis_index("c")
        base = wid * qpw
        pltpu.sync_copy(kid_hbm.at[pl.ds(base * _NCAND, qpw * _NCAND)], idv)

        def fire(k, ra, rb):
            qa = base + 2 * k
            oa = 2 * k * _NCAND
            ob = oa + _NCAND
            d1 = pltpu.async_copy(
                kn_hbm.at[idv.at[pl.ds(oa, half)]], ra.at[pl.ds(0, half)],
                semg)
            d2 = pltpu.async_copy(
                kn_hbm.at[idv.at[pl.ds(oa + half, half)]],
                ra.at[pl.ds(half, half)], semg)
            d3 = pltpu.async_copy(
                kn_hbm.at[idv.at[pl.ds(ob, half)]], rb.at[pl.ds(0, half)],
                semg)
            d4 = pltpu.async_copy(
                kn_hbm.at[idv.at[pl.ds(ob + half, half)]],
                rb.at[pl.ds(half, half)], semg)
            return d1, d2, d3, d4

        def drain_and_out(k, ra, rb):
            pltpu.async_copy(ra, out_hbm.at[base + 2 * k], semo)
            pltpu.async_copy(rb, out_hbm.at[base + 2 * k + 1], semo)

        def wait_outs(k, ra, rb):
            pltpu.make_async_copy(ra, out_hbm.at[base + 2 * k], semo).wait()
            pltpu.make_async_copy(rb, out_hbm.at[base + 2 * k + 1],
                                  semo).wait()

        def body(k, carry):
            @pl.when(lax.rem(k, 2) == 0)
            def _():
                @pl.when(k > 0)
                def _():
                    wait_outs(k - 2, rows0, rows1)
                ds = fire(k, rows0, rows1)
                for dd in ds:
                    dd.wait()
                drain_and_out(k, rows0, rows1)

            @pl.when(lax.rem(k, 2) == 1)
            def _():
                @pl.when(k > 1)
                def _():
                    wait_outs(k - 2, rows2, rows3)
                ds = fire(k, rows2, rows3)
                for dd in ds:
                    dd.wait()
                drain_and_out(k, rows2, rows3)

            return carry

        npair = qpw // 2
        lax.fori_loop(0, npair, body, 0)
        wait_outs(npair - 2, rows0, rows1)
        wait_outs(npair - 1, rows2, rows3)

    return gather_kernel(kn_pad, kid_flat)


def _rescore_body(n_keys, g_ref, qn_ref, kid_ref, vals_ref, idx_ref):
    t = g_ref.shape[0]
    ncp = 256
    g = g_ref[...]
    gz = jnp.concatenate(
        [g, jnp.zeros((t, ncp - _NCAND, 128), jnp.float32)], axis=1)
    g2 = gz.reshape(t * ncp, 128)
    qn = qn_ref[...]
    full = lax.dot_general(qn, g2, (((1,), (1,)), ((), ())),
                           preferred_element_type=jnp.float32)
    s = jnp.concatenate(
        [full[i:i + 1, i * ncp:(i + 1) * ncp] for i in range(t)], axis=0)
    kid = kid_ref[...]
    kidp = jnp.concatenate(
        [kid, jnp.full((t, ncp - _NCAND), 1 << 30, jnp.int32)], axis=1)
    s = jnp.where(kidp < n_keys, s, _NEG)
    iota_nc = lax.broadcasted_iota(jnp.int32, (t, _NCAND), 1)
    iota_p = lax.broadcasted_iota(jnp.int32, (t, ncp), 1)
    big = 1 << 30
    vals_ref[...] = jnp.zeros(vals_ref.shape, jnp.float32)
    idx_ref[...] = jnp.zeros(idx_ref.shape, jnp.int32)
    for j in range(_TOPK):
        m = jnp.max(s, axis=1, keepdims=True)
        pos = jnp.min(jnp.where(s == m, iota_p, big), axis=1, keepdims=True)
        gi = jnp.sum(jnp.where(iota_nc == pos, kid, 0), axis=1, keepdims=True)
        vals_ref[:, j:j + 1] = m
        idx_ref[:, j:j + 1] = gi
        s = jnp.where(iota_p == pos, _NEG, s)


def kernel(queries, keys, top_k):
    nq, d = queries.shape
    n_keys = keys.shape[0]
    kb = _B
    nb = (n_keys + kb - 1) // kb
    qn = queries / jnp.linalg.norm(queries, axis=1, keepdims=True)
    kn = keys / jnp.linalg.norm(keys, axis=1, keepdims=True)
    qt2 = 128
    kid = pl.pallas_call(
        functools.partial(_score_select_body, nb, n_keys, qt2),
        grid=(nb + nq // qt2,),
        in_specs=[
            pl.BlockSpec((nq, d), lambda b: (0, 0)),
            pl.BlockSpec((kb, d), lambda b: (jnp.minimum(b, nb - 1), 0)),
        ],
        out_specs=pl.BlockSpec(
            (qt2, _NCAND), lambda b: (jnp.maximum(b - nb, 0), 0)),
        out_shape=jax.ShapeDtypeStruct((nq, _NCAND), jnp.int32),
        scratch_shapes=[pltpu.VMEM((nb, nq, 128), jnp.float32)],
        compiler_params=pltpu.CompilerParams(
            dimension_semantics=("arbitrary",)),
    )(qn, kn)

    gk = _sc_gather(kn, jnp.minimum(kid, n_keys - 1))

    rt = 32
    vals, idx = pl.pallas_call(
        functools.partial(_rescore_body, n_keys),
        grid=(nq // rt,),
        in_specs=[
            pl.BlockSpec((rt, _NCAND, d), lambda i: (i, 0, 0)),
            pl.BlockSpec((rt, d), lambda i: (i, 0)),
            pl.BlockSpec((rt, _NCAND), lambda i: (i, 0)),
        ],
        out_specs=[
            pl.BlockSpec((rt, 16), lambda i: (i, 0)),
            pl.BlockSpec((rt, 16), lambda i: (i, 0)),
        ],
        out_shape=[
            jax.ShapeDtypeStruct((nq, 16), jnp.float32),
            jax.ShapeDtypeStruct((nq, 16), jnp.int32),
        ],
        compiler_params=pltpu.CompilerParams(
            dimension_semantics=("arbitrary",)),
    )(gk, qn, kid)

    return vals[:, :_TOPK], idx[:, :_TOPK]

# --- scband reference (transcript-rebuilt; emitter-appended) ---
"""Pipeline reference for scband-dynamic-dpr-5257039970555 (READ-ONLY COPY).

The authoritative reference and input builder live on the scoring server;
editing this copy changes nothing except your own understanding.
"""

import jax, jax.numpy as jnp
import numpy as np


def setup_inputs(seed: int = 0) -> dict:
    key = jax.random.key(seed)
    kq, kk = jax.random.split(key)
    queries = jax.random.normal(kq, (1024, 128), dtype=jnp.float32)
    keys = jax.random.normal(kk, (100000, 128), dtype=jnp.float32)
    return {"queries": queries, "keys": keys, "top_k": 10}


def reference(queries, keys, top_k):
    # Faithful translation of ScaNNDenseIndexer brute-force dense retrieval path:
    # _normalize(db_vectors), _normalize(query_vectors), dot_product scoring,
    # then top-k nearest neighbors (final_num_neighbors=top_k).
    q_norm = queries / jnp.linalg.norm(queries, axis=1, keepdims=True)
    k_norm = keys / jnp.linalg.norm(keys, axis=1, keepdims=True)
    scores = jnp.matmul(q_norm, k_norm.T)  # [Q, K] dot-product similarities
    scores = scores + jnp.zeros((), dtype=scores.dtype) * jnp.asarray(top_k, dtype=scores.dtype)
    top_vals, top_idx = jax.lax.top_k(scores, 10)  # [Q, top_k]; setup_inputs always passes top_k=10
    return top_vals, top_idx

if __name__ == "__main__":
    import jax
    _d = setup_inputs()
    print(jax.jit(kernel)(*tuple(_d.values())))

</pallas_src>

<mosaic_0001>
#map = affine_map<(d0, d1) -> (0, 0)>
#map1 = affine_map<(d0, d1) -> (0)>
#map2 = affine_map<(d0, d1) -> (0, 0, 0)>
module attributes {stable_mosaic.version = 14 : i64} {
  func.func @gather_kernel(%arg0: i32, %arg1: i32, %arg2: memref<100000x128xf32, #tpu.memory_space<hbm>>, %arg3: memref<163840xi32, #tpu.memory_space<hbm>>, %arg4: memref<1024x160x128xf32, #tpu.memory_space<hbm>>, %arg5: memref<5120xi32, #tpu.memory_space<vmem>>, %arg6: memref<160x128xf32, #tpu.memory_space<vmem>>, %arg7: memref<160x128xf32, #tpu.memory_space<vmem>>, %arg8: memref<160x128xf32, #tpu.memory_space<vmem>>, %arg9: memref<160x128xf32, #tpu.memory_space<vmem>>, %arg10: memref<!tpu.dma_semaphore, #tpu.memory_space<semaphore_mem>>, %arg11: memref<!tpu.dma_semaphore, #tpu.memory_space<semaphore_mem>>) attributes {dimension_semantics = [#tpu.dimension_semantics<core_parallel>, #tpu.dimension_semantics<subcore_parallel>], iteration_bounds = array<i64: 2, 16>, scalar_prefetch = 0 : i64, scratch_operands = 7 : i64, tpu.core_type = #tpu.core_type<sc_vector_subcore>, window_params = [{transform_indices = #map}, {transform_indices = #map1}, {transform_indices = #map2}]} {
    %mul3A = arith.constant 2 : i32
    %mul3A_0 = arith.muli %arg1, %mul3A : i32
    %add3A = arith.addi %mul3A_0, %arg0 : i32
    %mul3A_1 = arith.constant 32 : i32
    %mul3A_2 = arith.muli %add3A, %mul3A_1 : i32
    %mul3A_3 = arith.constant 160 : i32
    %mul3A_4 = arith.muli %mul3A_2, %mul3A_3 : i32
    "tpu.region"() ({
      %run_scoped3A = tpu.sem_alloc : memref<!tpu.dma_semaphore, #tpu.memory_space<semaphore_mem>>
      %dma_start3A = tpu.memref_slice %arg3[%mul3A_4] : memref<163840xi32, #tpu.memory_space<hbm>> -> memref<5120xi32, #tpu.memory_space<hbm>>
      %dma_start3A_53 = tpu.memref_slice %arg3[%mul3A_4] : memref<163840xi32, #tpu.memory_space<hbm>> -> memref<5120xi32, #tpu.memory_space<hbm>>
      tpu.enqueue_dma source(%dma_start3A_53 : memref<5120xi32, #tpu.memory_space<hbm>>) target(%arg5 : memref<5120xi32, #tpu.memory_space<vmem>>) target_semaphore(%run_scoped3A : memref<!tpu.dma_semaphore, #tpu.memory_space<semaphore_mem>>)
      %dma_wait3A_54 = tpu.memref_slice %arg3[%mul3A_4] : memref<163840xi32, #tpu.memory_space<hbm>> -> memref<5120xi32, #tpu.memory_space<hbm>>
      %dma_wait3A_55 = tpu.memref_slice %arg3[%mul3A_4] : memref<163840xi32, #tpu.memory_space<hbm>> -> memref<5120xi32, #tpu.memory_space<hbm>>
      tpu.wait_dma2 semaphore(%run_scoped3A : memref<!tpu.dma_semaphore, #tpu.memory_space<semaphore_mem>>) src(%dma_wait3A_55 : memref<5120xi32, #tpu.memory_space<hbm>>) dst(%arg5 : memref<5120xi32, #tpu.memory_space<vmem>>)
      tpu.yield
    }) : () -> ()
    %scan3A = arith.constant 0 : i32
    %scan3A_5 = arith.constant 0 : i32
    %scan3A_6 = arith.constant 16 : i32
    %scan3A_7 = arith.addi %scan3A_5, %scan3A_6 : i32
    %scan3A_8 = arith.constant 1 : i32
    scf.for %scan3A_53 = %scan3A_5 to %scan3A_7 step %scan3A_8  : i32 {
      %rem3A = arith.constant 2 : i32
      %rem3A_54 = arith.remsi %scan3A_53, %rem3A : i32
      %eq3A = arith.constant 0 : i32
      %eq3A_55 = arith.cmpi eq, %rem3A_54, %eq3A : i32
      %convert_element_type3A = arith.extui %eq3A_55 : i1 to i32
      %cond3A = arith.constant 0 : i32
      %cond3A_56 = arith.cmpi ne, %convert_element_type3A, %cond3A : i32
      scf.if %cond3A_56 {
        %gt3A = arith.constant 0 : i32
        %gt3A_64 = arith.cmpi sgt, %scan3A_53, %gt3A : i32
        %convert_element_type3A_65 = arith.extui %gt3A_64 : i1 to i32
        %cond3A_66 = arith.constant 0 : i32
        %cond3A_67 = arith.cmpi ne, %convert_element_type3A_65, %cond3A_66 : i32
        scf.if %cond3A_67 {
          %sub3A = arith.constant 2 : i32
          %sub3A_160 = arith.subi %scan3A_53, %sub3A : i32
          %mul3A_161 = arith.constant 2 : i32
          %mul3A_162 = arith.muli %mul3A_161, %sub3A_160 : i32
          %add3A_163 = arith.addi %mul3A_2, %mul3A_162 : i32
          %dma_wait3A_164 = arith.constant 0 : i32
          %dma_wait3A_165 = arith.constant 0 : i32
          %dma_wait3A_166 = tpu.memref_slice %arg4[%add3A_163, %dma_wait3A_164, %dma_wait3A_165] : memref<1024x160x128xf32, #tpu.memory_space<hbm>> -> memref<1x160x128xf32, #tpu.memory_space<hbm>>
          %dma_wait3A_167 = tpu.memref_squeeze %dma_wait3A_166 : memref<1x160x128xf32, #tpu.memory_space<hbm>> -> memref<160x128xf32, #tpu.memory_space<hbm>>
          %dma_wait3A_168 = arith.constant 0 : i32
          %dma_wait3A_169 = arith.constant 0 : i32
          %dma_wait3A_170 = tpu.memref_slice %arg4[%add3A_163, %dma_wait3A_168, %dma_wait3A_169] : memref<1024x160x128xf32, #tpu.memory_space<hbm>> -> memref<1x160x128xf32, #tpu.memory_space<hbm>>
          %dma_wait3A_171 = tpu.memref_squeeze %dma_wait3A_170 : memref<1x160x128xf32, #tpu.memory_space<hbm>> -> memref<160x128xf32, #tpu.memory_space<hbm>>
          tpu.wait_dma2 semaphore(%arg11 : memref<!tpu.dma_semaphore, #tpu.memory_space<semaphore_mem>>) src(%arg6 : memref<160x128xf32, #tpu.memory_space<vmem>>) dst(%dma_wait3A_171 : memref<160x128xf32, #tpu.memory_space<hbm>>)
          %mul3A_172 = arith.constant 2 : i32
          %mul3A_173 = arith.muli %mul3A_172, %sub3A_160 : i32
          %add3A_174 = arith.addi %mul3A_2, %mul3A_173 : i32
          %add3A_175 = arith.constant 1 : i32
          %add3A_176 = arith.addi %add3A_174, %add3A_175 : i32
          %dma_wait3A_177 = arith.constant 0 : i32
          %dma_wait3A_178 = arith.constant 0 : i32
          %dma_wait3A_179 = tpu.memref_slice %arg4[%add3A_176, %dma_wait3A_177, %dma_wait3A_178] : memref<1024x160x128xf32, #tpu.memory_space<hbm>> -> memref<1x160x128xf32, #tpu.memory_space<hbm>>
          %dma_wait3A_180 = tpu.memref_squeeze %dma_wait3A_179 : memref<1x160x128xf32, #tpu.memory_space<hbm>> -> memref<160x128xf32, #tpu.memory_space<hbm>>
          %dma_wait3A_181 = arith.constant 0 : i32
          %dma_wait3A_182 = arith.constant 0 : i32
          %dma_wait3A_183 = tpu.memref_slice %arg4[%add3A_176, %dma_wait3A_181, %dma_wait3A_182] : memref<1024x160x128xf32, #tpu.memory_space<hbm>> -> memref<1x160x128xf32, #tpu.memory_space<hbm>>
          %dma_wait3A_184 = tpu.memref_squeeze %dma_wait3A_183 : memref<1x160x128xf32, #tpu.memory_space<hbm>> -> memref<160x128xf32, #tpu.memory_space<hbm>>
          tpu.wait_dma2 semaphore(%arg11 : memref<!tpu.dma_semaphore, #tpu.memory_space<semaphore_mem>>) src(%arg7 : memref<160x128xf32, #tpu.memory_space<vmem>>) dst(%dma_wait3A_184 : memref<160x128xf32, #tpu.memory_space<hbm>>)
        } else {
        }
        %mul3A_68 = arith.constant 2 : i32
        %mul3A_69 = arith.muli %mul3A_68, %scan3A_53 : i32
        %add3A_70 = arith.addi %mul3A_2, %mul3A_69 : i32
        %mul3A_71 = arith.constant 2 : i32
        %mul3A_72 = arith.muli %mul3A_71, %scan3A_53 : i32
        %mul3A_73 = arith.constant 160 : i32
        %mul3A_74 = arith.muli %mul3A_72, %mul3A_73 : i32
        %add3A_75 = arith.constant 160 : i32
        %add3A_76 = arith.addi %mul3A_74, %add3A_75 : i32
        %dma_start3A = arith.constant 0 : i32
        %dma_start3A_77 = arith.constant 0 : i32
        %dma_start3A_78 = tpu.memref_slice %arg6[%dma_start3A, %dma_start3A_77] : memref<160x128xf32, #tpu.memory_space<vmem>> -> memref<80x128xf32, #tpu.memory_space<vmem>>
        %dma_start3A_79 = tpu.memref_slice %arg5[%mul3A_74] : memref<5120xi32, #tpu.memory_space<vmem>> -> memref<80xi32, #tpu.memory_space<vmem>>
        %dma_start3A_80 = arith.constant 0 : i32
        %dma_start3A_81 = arith.constant 0 : i32
        %dma_start3A_82 = tpu.memref_slice %arg2[%dma_start3A_80, %dma_start3A_81] : memref<100000x128xf32, #tpu.memory_space<hbm>> -> memref<100000x128xf32, #tpu.memory_space<hbm>>
        tpu.enqueue_indirect_dma source(%dma_start3A_82 : memref<100000x128xf32, #tpu.memory_space<hbm>>) target(%dma_start3A_78 : memref<80x128xf32, #tpu.memory_space<vmem>>) offsets(%dma_start3A_79 : memref<80xi32, #tpu.memory_space<vmem>>) semaphore(%arg10 : memref<!tpu.dma_semaphore, #tpu.memory_space<semaphore_mem>>)
        %add3A_83 = arith.constant 80 : i32
        %add3A_84 = arith.addi %mul3A_74, %add3A_83 : i32
        %dma_start3A_85 = arith.constant 80 : i32
        %dma_start3A_86 = arith.constant 0 : i32
        %dma_start3A_87 = tpu.memref_slice %arg6[%dma_start3A_85, %dma_start3A_86] : memref<160x128xf32, #tpu.memory_space<vmem>> -> memref<80x128xf32, #tpu.memory_space<vmem>>
        %dma_start3A_88 = tpu.memref_slice %arg5[%add3A_84] : memref<5120xi32, #tpu.memory_space<vmem>> -> memref<80xi32, #tpu.memory_space<vmem>>
        %dma_start3A_89 = arith.constant 0 : i32
        %dma_start3A_90 = arith.constant 0 : i32
        %dma_start3A_91 = tpu.memref_slice %arg2[%dma_start3A_89, %dma_start3A_90] : memref<100000x128xf32, #tpu.memory_space<hbm>> -> memref<100000x128xf32, #tpu.memory_space<hbm>>
        tpu.enqueue_indirect_dma source(%dma_start3A_91 : memref<100000x128xf32, #tpu.memory_space<hbm>>) target(%dma_start3A_87 : memref<80x128xf32, #tpu.memory_space<vmem>>) offsets(%dma_start3A_88 : memref<80xi32, #tpu.memory_space<vmem>>) semaphore(%arg10 : memref<!tpu.dma_semaphore, #tpu.memory_space<semaphore_mem>>)
        %dma_start3A_92 = arith.constant 0 : i32
        %dma_start3A_93 = arith.constant 0 : i32
        %dma_start3A_94 = tpu.memref_slice %arg7[%dma_start3A_92, %dma_start3A_93] : memref<160x128xf32, #tpu.memory_space<vmem>> -> memref<80x128xf32, #tpu.memory_space<vmem>>
        %dma_start3A_95 = tpu.memref_slice %arg5[%add3A_76] : memref<5120xi32, #tpu.memory_space<vmem>> -> memref<80xi32, #tpu.memory_space<vmem>>
        %dma_start3A_96 = arith.constant 0 : i32
        %dma_start3A_97 = arith.constant 0 : i32
        %dma_start3A_98 = tpu.memref_slice %arg2[%dma_start3A_96, %dma_start3A_97] : memref<100000x128xf32, #tpu.memory_space<hbm>> -> memref<100000x128xf32, #tpu.memory_space<hbm>>
        tpu.enqueue_indirect_dma source(%dma_start3A_98 : memref<100000x128xf32, #tpu.memory_space<hbm>>) target(%dma_start3A_94 : memref<80x128xf32, #tpu.memory_space<vmem>>) offsets(%dma_start3A_95 : memref<80xi32, #tpu.memory_space<vmem>>) semaphore(%arg10 : memref<!tpu.dma_semaphore, #tpu.memory_space<semaphore_mem>>)
        %add3A_99 = arith.constant 80 : i32
        %add3A_100 = arith.addi %add3A_76, %add3A_99 : i32
        %dma_start3A_101 = arith.constant 80 : i32
        %dma_start3A_102 = arith.constant 0 : i32
        %dma_start3A_103 = tpu.memref_slice %arg7[%dma_start3A_101, %dma_start3A_102] : memref<160x128xf32, #tpu.memory_space<vmem>> -> memref<80x128xf32, #tpu.memory_space<vmem>>
        %dma_start3A_104 = tpu.memref_slice %arg5[%add3A_100] : memref<5120xi32, #tpu.memory_space<vmem>> -> memref<80xi32, #tpu.memory_space<vmem>>
        %dma_start3A_105 = arith.constant 0 : i32
        %dma_start3A_106 = arith.constant 0 : i32
        %dma_start3A_107 = tpu.memref_slice %arg2[%dma_start3A_105, %dma_start3A_106] : memref<100000x128xf32, #tpu.memory_space<hbm>> -> memref<100000x128xf32, #tpu.memory_space<hbm>>
        tpu.enqueue_indirect_dma source(%dma_start3A_107 : memref<100000x128xf32, #tpu.memory_space<hbm>>) target(%dma_start3A_103 : memref<80x128xf32, #tpu.memory_space<vmem>>) offsets(%dma_start3A_104 : memref<80xi32, #tpu.memory_space<vmem>>) semaphore(%arg10 : memref<!tpu.dma_semaphore, #tpu.memory_space<semaphore_mem>>)
        %dma_wait3A_108 = arith.constant 0 : i32
        %dma_wait3A_109 = arith.constant 0 : i32
        %dma_wait3A_110 = tpu.memref_slice %arg6[%dma_wait3A_108, %dma_wait3A_109] : memref<160x128xf32, #tpu.memory_space<vmem>> -> memref<80x128xf32, #tpu.memory_space<vmem>>
        %dma_wait3A_111 = tpu.memref_slice %arg5[%mul3A_74] : memref<5120xi32, #tpu.memory_space<vmem>> -> memref<80xi32, #tpu.memory_space<vmem>>
        %dma_wait3A_112 = arith.constant 0 : i32
        %dma_wait3A_113 = arith.constant 0 : i32
        %dma_wait3A_114 = tpu.memref_slice %arg2[%dma_wait3A_112, %dma_wait3A_113] : memref<100000x128xf32, #tpu.memory_space<hbm>> -> memref<100000x128xf32, #tpu.memory_space<hbm>>
        tpu.wait_indirect_dma semaphore(%arg10 : memref<!tpu.dma_semaphore, #tpu.memory_space<semaphore_mem>>) src(%dma_wait3A_114 : memref<100000x128xf32, #tpu.memory_space<hbm>>) dst(%dma_wait3A_110 : memref<80x128xf32, #tpu.memory_space<vmem>>)
        %dma_wait3A_115 = arith.constant 80 : i32
        %dma_wait3A_116 = arith.constant 0 : i32
        %dma_wait3A_117 = tpu.memref_slice %arg6[%dma_wait3A_115, %dma_wait3A_116] : memref<160x128xf32, #tpu.memory_space<vmem>> -> memref<80x128xf32, #tpu.memory_space<vmem>>
        %dma_wait3A_118 = tpu.memref_slice %arg5[%add3A_84] : memref<5120xi32, #tpu.memory_space<vmem>> -> memref<80xi32, #tpu.memory_space<vmem>>
        %dma_wait3A_119 = arith.constant 0 : i32
        %dma_wait3A_120 = arith.constant 0 : i32
        %dma_wait3A_121 = tpu.memref_slice %arg2[%dma_wait3A_119, %dma_wait3A_120] : memref<100000x128xf32, #tpu.memory_space<hbm>> -> memref<100000x128xf32, #tpu.memory_space<hbm>>
        tpu.wait_indirect_dma semaphore(%arg10 : memref<!tpu.dma_semaphore, #tpu.memory_space<semaphore_mem>>) src(%dma_wait3A_121 : memref<100000x128xf32, #tpu.memory_space<hbm>>) dst(%dma_wait3A_117 : memref<80x128xf32, #tpu.memory_space<vmem>>)
        %dma_wait3A_122 = arith.constant 0 : i32
        %dma_wait3A_123 = arith.constant 0 : i32
        %dma_wait3A_124 = tpu.memref_slice %arg7[%dma_wait3A_122, %dma_wait3A_123] : memref<160x128xf32, #tpu.memory_space<vmem>> -> memref<80x128xf32, #tpu.memory_space<vmem>>
        %dma_wait3A_125 = tpu.memref_slice %arg5[%add3A_76] : memref<5120xi32, #tpu.memory_space<vmem>> -> memref<80xi32, #tpu.memory_space<vmem>>
        %dma_wait3A_126 = arith.constant 0 : i32
        %dma_wait3A_127 = arith.constant 0 : i32
        %dma_wait3A_128 = tpu.memref_slice %arg2[%dma_wait3A_126, %dma_wait3A_127] : memref<100000x128xf32, #tpu.memory_space<hbm>> -> memref<100000x128xf32, #tpu.memory_space<hbm>>
        tpu.wait_indirect_dma semaphore(%arg10 : memref<!tpu.dma_semaphore, #tpu.memory_space<semaphore_mem>>) src(%dma_wait3A_128 : memref<100000x128xf32, #tpu.memory_space<hbm>>) dst(%dma_wait3A_124 : memref<80x128xf32, #tpu.memory_space<vmem>>)
        %dma_wait3A_129 = arith.constant 80 : i32
        %dma_wait3A_130 = arith.constant 0 : i32
        %dma_wait3A_131 = tpu.memref_slice %arg7[%dma_wait3A_129, %dma_wait3A_130] : memref<160x128xf32, #tpu.memory_space<vmem>> -> memref<80x128xf32, #tpu.memory_space<vmem>>
        %dma_wait3A_132 = tpu.memref_slice %arg5[%add3A_100] : memref<5120xi32, #tpu.memory_space<vmem>> -> memref<80xi32, #tpu.memory_space<vmem>>
        %dma_wait3A_133 = arith.constant 0 : i32
        %dma_wait3A_134 = arith.constant 0 : i32
        %dma_wait3A_135 = tpu.memref_slice %arg2[%dma_wait3A_133, %dma_wait3A_134] : memref<100000x128xf32, #tpu.memory_space<hbm>> -> memref<100000x128xf32, #tpu.memory_space<hbm>>
        tpu.wait_indirect_dma semaphore(%arg10 : memref<!tpu.dma_semaphore, #tpu.memory_space<semaphore_mem>>) src(%dma_wait3A_135 : memref<100000x128xf32, #tpu.memory_space<hbm>>) dst(%dma_wait3A_131 : memref<80x128xf32, #tpu.memory_space<vmem>>)
        %mul3A_136 = arith.constant 2 : i32
        %mul3A_137 = arith.muli %mul3A_136, %scan3A_53 : i32
        %add3A_138 = arith.addi %mul3A_2, %mul3A_137 : i32
        %dma_start3A_139 = arith.constant 0 : i32
        %dma_start3A_140 = arith.constant 0 : i32
        %dma_start3A_141 = tpu.memref_slice %arg4[%add3A_138, %dma_start3A_139, %dma_start3A_140] : memref<1024x160x128xf32, #tpu.memory_space<hbm>> -> memref<1x160x128xf32, #tpu.memory_space<hbm>>
        %dma_start3A_142 = tpu.memref_squeeze %dma_start3A_141 : memref<1x160x128xf32, #tpu.memory_space<hbm>> -> memref<160x128xf32, #tpu.memory_space<hbm>>
        %dma_start3A_143 = arith.constant 0 : i32
        %dma_start3A_144 = arith.constant 0 : i32
        %dma_start3A_145 = tpu.memref_slice %arg4[%add3A_138, %dma_start3A_143, %dma_start3A_144] : memref<1024x160x128xf32, #tpu.memory_space<hbm>> -> memref<1x160x128xf32, #tpu.memory_space<hbm>>
        %dma_start3A_146 = tpu.memref_squeeze %dma_start3A_145 : memref<1x160x128xf32, #tpu.memory_space<hbm>> -> memref<160x128xf32, #tpu.memory_space<hbm>>
        tpu.enqueue_dma source(%arg6 : memref<160x128xf32, #tpu.memory_space<vmem>>) target(%dma_start3A_146 : memref<160x128xf32, #tpu.memory_space<hbm>>) target_semaphore(%arg11 : memref<!tpu.dma_semaphore, #tpu.memory_space<semaphore_mem>>)
        %mul3A_147 = arith.constant 2 : i32
        %mul3A_148 = arith.muli %mul3A_147, %scan3A_53 : i32
        %add3A_149 = arith.addi %mul3A_2, %mul3A_148 : i32
        %add3A_150 = arith.constant 1 : i32
        %add3A_151 = arith.addi %add3A_149, %add3A_150 : i32
        %dma_start3A_152 = arith.constant 0 : i32
        %dma_start3A_153 = arith.constant 0 : i32
        %dma_start3A_154 = tpu.memref_slice %arg4[%add3A_151, %dma_start3A_152, %dma_start3A_153] : memref<1024x160x128xf32, #tpu.memory_space<hbm>> -> memref<1x160x128xf32, #tpu.memory_space<hbm>>
        %dma_start3A_155 = tpu.memref_squeeze %dma_start3A_154 : memref<1x160x128xf32, #tpu.memory_space<hbm>> -> memref<160x128xf32, #tpu.memory_space<hbm>>
        %dma_start3A_156 = arith.constant 0 : i32
        %dma_start3A_157 = arith.constant 0 : i32
        %dma_start3A_158 = tpu.memref_slice %arg4[%add3A_151, %dma_start3A_156, %dma_start3A_157] : memref<1024x160x128xf32, #tpu.memory_space<hbm>> -> memref<1x160x128xf32, #tpu.memory_space<hbm>>
        %dma_start3A_159 = tpu.memref_squeeze %dma_start3A_158 : memref<1x160x128xf32, #tpu.memory_space<hbm>> -> memref<160x128xf32, #tpu.memory_space<hbm>>
        tpu.enqueue_dma source(%arg7 : memref<160x128xf32, #tpu.memory_space<vmem>>) target(%dma_start3A_159 : memref<160x128xf32, #tpu.memory_space<hbm>>) target_semaphore(%arg11 : memref<!tpu.dma_semaphore, #tpu.memory_space<semaphore_mem>>)
      } else {
      }
      %rem3A_57 = arith.constant 2 : i32
      %rem3A_58 = arith.remsi %scan3A_53, %rem3A_57 : i32
      %eq3A_59 = arith.constant 1 : i32
      %eq3A_60 = arith.cmpi eq, %rem3A_58, %eq3A_59 : i32
      %convert_element_type3A_61 = arith.extui %eq3A_60 : i1 to i32
      %cond3A_62 = arith.constant 0 : i32
      %cond3A_63 = arith.cmpi ne, %convert_element_type3A_61, %cond3A_62 : i32
      scf.if %cond3A_63 {
        %gt3A = arith.constant 1 : i32
        %gt3A_64 = arith.cmpi sgt, %scan3A_53, %gt3A : i32
        %convert_element_type3A_65 = arith.extui %gt3A_64 : i1 to i32
        %cond3A_66 = arith.constant 0 : i32
        %cond3A_67 = arith.cmpi ne, %convert_element_type3A_65, %cond3A_66 : i32
        scf.if %cond3A_67 {
          %sub3A = arith.constant 2 : i32
          %sub3A_160 = arith.subi %scan3A_53, %sub3A : i32
          %mul3A_161 = arith.constant 2 : i32
          %mul3A_162 = arith.muli %mul3A_161, %sub3A_160 : i32
          %add3A_163 = arith.addi %mul3A_2, %mul3A_162 : i32
          %dma_wait3A_164 = arith.constant 0 : i32
          %dma_wait3A_165 = arith.constant 0 : i32
          %dma_wait3A_166 = tpu.memref_slice %arg4[%add3A_163, %dma_wait3A_164, %dma_wait3A_165] : memref<1024x160x128xf32, #tpu.memory_space<hbm>> -> memref<1x160x128xf32, #tpu.memory_space<hbm>>
          %dma_wait3A_167 = tpu.memref_squeeze %dma_wait3A_166 : memref<1x160x128xf32, #tpu.memory_space<hbm>> -> memref<160x128xf32, #tpu.memory_space<hbm>>
          %dma_wait3A_168 = arith.constant 0 : i32
          %dma_wait3A_169 = arith.constant 0 : i32
          %dma_wait3A_170 = tpu.memref_slice %arg4[%add3A_163, %dma_wait3A_168, %dma_wait3A_169] : memref<1024x160x128xf32, #tpu.memory_space<hbm>> -> memref<1x160x128xf32, #tpu.memory_space<hbm>>
          %dma_wait3A_171 = tpu.memref_squeeze %dma_wait3A_170 : memref<1x160x128xf32, #tpu.memory_space<hbm>> -> memref<160x128xf32, #tpu.memory_space<hbm>>
          tpu.wait_dma2 semaphore(%arg11 : memref<!tpu.dma_semaphore, #tpu.memory_space<semaphore_mem>>) src(%arg8 : memref<160x128xf32, #tpu.memory_space<vmem>>) dst(%dma_wait3A_171 : memref<160x128xf32, #tpu.memory_space<hbm>>)
          %mul3A_172 = arith.constant 2 : i32
          %mul3A_173 = arith.muli %mul3A_172, %sub3A_160 : i32
          %add3A_174 = arith.addi %mul3A_2, %mul3A_173 : i32
          %add3A_175 = arith.constant 1 : i32
          %add3A_176 = arith.addi %add3A_174, %add3A_175 : i32
          %dma_wait3A_177 = arith.constant 0 : i32
          %dma_wait3A_178 = arith.constant 0 : i32
          %dma_wait3A_179 = tpu.memref_slice %arg4[%add3A_176, %dma_wait3A_177, %dma_wait3A_178] : memref<1024x160x128xf32, #tpu.memory_space<hbm>> -> memref<1x160x128xf32, #tpu.memory_space<hbm>>
          %dma_wait3A_180 = tpu.memref_squeeze %dma_wait3A_179 : memref<1x160x128xf32, #tpu.memory_space<hbm>> -> memref<160x128xf32, #tpu.memory_space<hbm>>
          %dma_wait3A_181 = arith.constant 0 : i32
          %dma_wait3A_182 = arith.constant 0 : i32
          %dma_wait3A_183 = tpu.memref_slice %arg4[%add3A_176, %dma_wait3A_181, %dma_wait3A_182] : memref<1024x160x128xf32, #tpu.memory_space<hbm>> -> memref<1x160x128xf32, #tpu.memory_space<hbm>>
          %dma_wait3A_184 = tpu.memref_squeeze %dma_wait3A_183 : memref<1x160x128xf32, #tpu.memory_space<hbm>> -> memref<160x128xf32, #tpu.memory_space<hbm>>
          tpu.wait_dma2 semaphore(%arg11 : memref<!tpu.dma_semaphore, #tpu.memory_space<semaphore_mem>>) src(%arg9 : memref<160x128xf32, #tpu.memory_space<vmem>>) dst(%dma_wait3A_184 : memref<160x128xf32, #tpu.memory_space<hbm>>)
        } else {
        }
        %mul3A_68 = arith.constant 2 : i32
        %mul3A_69 = arith.muli %mul3A_68, %scan3A_53 : i32
        %add3A_70 = arith.addi %mul3A_2, %mul3A_69 : i32
        %mul3A_71 = arith.constant 2 : i32
        %mul3A_72 = arith.muli %mul3A_71, %scan3A_53 : i32
        %mul3A_73 = arith.constant 160 : i32
        %mul3A_74 = arith.muli %mul3A_72, %mul3A_73 : i32
        %add3A_75 = arith.constant 160 : i32
        %add3A_76 = arith.addi %mul3A_74, %add3A_75 : i32
        %dma_start3A = arith.constant 0 : i32
        %dma_start3A_77 = arith.constant 0 : i32
        %dma_start3A_78 = tpu.memref_slice %arg8[%dma_start3A, %dma_start3A_77] : memref<160x128xf32, #tpu.memory_space<vmem>> -> memref<80x128xf32, #tpu.memory_space<vmem>>
        %dma_start3A_79 = tpu.memref_slice %arg5[%mul3A_74] : memref<5120xi32, #tpu.memory_space<vmem>> -> memref<80xi32, #tpu.memory_space<vmem>>
        %dma_start3A_80 = arith.constant 0 : i32
        %dma_start3A_81 = arith.constant 0 : i32
        %dma_start3A_82 = tpu.memref_slice %arg2[%dma_start3A_80, %dma_start3A_81] : memref<100000x128xf32, #tpu.memory_space<hbm>> -> memref<100000x128xf32, #tpu.memory_space<hbm>>
        tpu.enqueue_indirect_dma source(%dma_start3A_82 : memref<100000x128xf32, #tpu.memory_space<hbm>>) target(%dma_start3A_78 : memref<80x128xf32, #tpu.memory_space<vmem>>) offsets(%dma_start3A_79 : memref<80xi32, #tpu.memory_space<vmem>>) semaphore(%arg10 : memref<!tpu.dma_semaphore, #tpu.memory_space<semaphore_mem>>)
        %add3A_83 = arith.constant 80 : i32
        %add3A_84 = arith.addi %mul3A_74, %add3A_83 : i32
        %dma_start3A_85 = arith.constant 80 : i32
        %dma_start3A_86 = arith.constant 0 : i32
        %dma_start3A_87 = tpu.memref_slice %arg8[%dma_start3A_85, %dma_start3A_86] : memref<160x128xf32, #tpu.memory_space<vmem>> -> memref<80x128xf32, #tpu.memory_space<vmem>>
        %dma_start3A_88 = tpu.memref_slice %arg5[%add3A_84] : memref<5120xi32, #tpu.memory_space<vmem>> -> memref<80xi32, #tpu.memory_space<vmem>>
        %dma_start3A_89 = arith.constant 0 : i32
        %dma_start3A_90 = arith.constant 0 : i32
        %dma_start3A_91 = tpu.memref_slice %arg2[%dma_start3A_89, %dma_start3A_90] : memref<100000x128xf32, #tpu.memory_space<hbm>> -> memref<100000x128xf32, #tpu.memory_space<hbm>>
        tpu.enqueue_indirect_dma source(%dma_start3A_91 : memref<100000x128xf32, #tpu.memory_space<hbm>>) target(%dma_start3A_87 : memref<80x128xf32, #tpu.memory_space<vmem>>) offsets(%dma_start3A_88 : memref<80xi32, #tpu.memory_space<vmem>>) semaphore(%arg10 : memref<!tpu.dma_semaphore, #tpu.memory_space<semaphore_mem>>)
        %dma_start3A_92 = arith.constant 0 : i32
        %dma_start3A_93 = arith.constant 0 : i32
        %dma_start3A_94 = tpu.memref_slice %arg9[%dma_start3A_92, %dma_start3A_93] : memref<160x128xf32, #tpu.memory_space<vmem>> -> memref<80x128xf32, #tpu.memory_space<vmem>>
        %dma_start3A_95 = tpu.memref_slice %arg5[%add3A_76] : memref<5120xi32, #tpu.memory_space<vmem>> -> memref<80xi32, #tpu.memory_space<vmem>>
        %dma_start3A_96 = arith.constant 0 : i32
        %dma_start3A_97 = arith.constant 0 : i32
        %dma_start3A_98 = tpu.memref_slice %arg2[%dma_start3A_96, %dma_start3A_97] : memref<100000x128xf32, #tpu.memory_space<hbm>> -> memref<100000x128xf32, #tpu.memory_space<hbm>>
        tpu.enqueue_indirect_dma source(%dma_start3A_98 : memref<100000x128xf32, #tpu.memory_space<hbm>>) target(%dma_start3A_94 : memref<80x128xf32, #tpu.memory_space<vmem>>) offsets(%dma_start3A_95 : memref<80xi32, #tpu.memory_space<vmem>>) semaphore(%arg10 : memref<!tpu.dma_semaphore, #tpu.memory_space<semaphore_mem>>)
        %add3A_99 = arith.constant 80 : i32
        %add3A_100 = arith.addi %add3A_76, %add3A_99 : i32
        %dma_start3A_101 = arith.constant 80 : i32
        %dma_start3A_102 = arith.constant 0 : i32
        %dma_start3A_103 = tpu.memref_slice %arg9[%dma_start3A_101, %dma_start3A_102] : memref<160x128xf32, #tpu.memory_space<vmem>> -> memref<80x128xf32, #tpu.memory_space<vmem>>
        %dma_start3A_104 = tpu.memref_slice %arg5[%add3A_100] : memref<5120xi32, #tpu.memory_space<vmem>> -> memref<80xi32, #tpu.memory_space<vmem>>
        %dma_start3A_105 = arith.constant 0 : i32
        %dma_start3A_106 = arith.constant 0 : i32
        %dma_start3A_107 = tpu.memref_slice %arg2[%dma_start3A_105, %dma_start3A_106] : memref<100000x128xf32, #tpu.memory_space<hbm>> -> memref<100000x128xf32, #tpu.memory_space<hbm>>
        tpu.enqueue_indirect_dma source(%dma_start3A_107 : memref<100000x128xf32, #tpu.memory_space<hbm>>) target(%dma_start3A_103 : memref<80x128xf32, #tpu.memory_space<vmem>>) offsets(%dma_start3A_104 : memref<80xi32, #tpu.memory_space<vmem>>) semaphore(%arg10 : memref<!tpu.dma_semaphore, #tpu.memory_space<semaphore_mem>>)
        %dma_wait3A_108 = arith.constant 0 : i32
        %dma_wait3A_109 = arith.constant 0 : i32
        %dma_wait3A_110 = tpu.memref_slice %arg8[%dma_wait3A_108, %dma_wait3A_109] : memref<160x128xf32, #tpu.memory_space<vmem>> -> memref<80x128xf32, #tpu.memory_space<vmem>>
        %dma_wait3A_111 = tpu.memref_slice %arg5[%mul3A_74] : memref<5120xi32, #tpu.memory_space<vmem>> -> memref<80xi32, #tpu.memory_space<vmem>>
        %dma_wait3A_112 = arith.constant 0 : i32
        %dma_wait3A_113 = arith.constant 0 : i32
        %dma_wait3A_114 = tpu.memref_slice %arg2[%dma_wait3A_112, %dma_wait3A_113] : memref<100000x128xf32, #tpu.memory_space<hbm>> -> memref<100000x128xf32, #tpu.memory_space<hbm>>
        tpu.wait_indirect_dma semaphore(%arg10 : memref<!tpu.dma_semaphore, #tpu.memory_space<semaphore_mem>>) src(%dma_wait3A_114 : memref<100000x128xf32, #tpu.memory_space<hbm>>) dst(%dma_wait3A_110 : memref<80x128xf32, #tpu.memory_space<vmem>>)
        %dma_wait3A_115 = arith.constant 80 : i32
        %dma_wait3A_116 = arith.constant 0 : i32
        %dma_wait3A_117 = tpu.memref_slice %arg8[%dma_wait3A_115, %dma_wait3A_116] : memref<160x128xf32, #tpu.memory_space<vmem>> -> memref<80x128xf32, #tpu.memory_space<vmem>>
        %dma_wait3A_118 = tpu.memref_slice %arg5[%add3A_84] : memref<5120xi32, #tpu.memory_space<vmem>> -> memref<80xi32, #tpu.memory_space<vmem>>
        %dma_wait3A_119 = arith.constant 0 : i32
        %dma_wait3A_120 = arith.constant 0 : i32
        %dma_wait3A_121 = tpu.memref_slice %arg2[%dma_wait3A_119, %dma_wait3A_120] : memref<100000x128xf32, #tpu.memory_space<hbm>> -> memref<100000x128xf32, #tpu.memory_space<hbm>>
        tpu.wait_indirect_dma semaphore(%arg10 : memref<!tpu.dma_semaphore, #tpu.memory_space<semaphore_mem>>) src(%dma_wait3A_121 : memref<100000x128xf32, #tpu.memory_space<hbm>>) dst(%dma_wait3A_117 : memref<80x128xf32, #tpu.memory_space<vmem>>)
        %dma_wait3A_122 = arith.constant 0 : i32
        %dma_wait3A_123 = arith.constant 0 : i32
        %dma_wait3A_124 = tpu.memref_slice %arg9[%dma_wait3A_122, %dma_wait3A_123] : memref<160x128xf32, #tpu.memory_space<vmem>> -> memref<80x128xf32, #tpu.memory_space<vmem>>
        %dma_wait3A_125 = tpu.memref_slice %arg5[%add3A_76] : memref<5120xi32, #tpu.memory_space<vmem>> -> memref<80xi32, #tpu.memory_space<vmem>>
        %dma_wait3A_126 = arith.constant 0 : i32
        %dma_wait3A_127 = arith.constant 0 : i32
        %dma_wait3A_128 = tpu.memref_slice %arg2[%dma_wait3A_126, %dma_wait3A_127] : memref<100000x128xf32, #tpu.memory_space<hbm>> -> memref<100000x128xf32, #tpu.memory_space<hbm>>
        tpu.wait_indirect_dma semaphore(%arg10 : memref<!tpu.dma_semaphore, #tpu.memory_space<semaphore_mem>>) src(%dma_wait3A_128 : memref<100000x128xf32, #tpu.memory_space<hbm>>) dst(%dma_wait3A_124 : memref<80x128xf32, #tpu.memory_space<vmem>>)
        %dma_wait3A_129 = arith.constant 80 : i32
        %dma_wait3A_130 = arith.constant 0 : i32
        %dma_wait3A_131 = tpu.memref_slice %arg9[%dma_wait3A_129, %dma_wait3A_130] : memref<160x128xf32, #tpu.memory_space<vmem>> -> memref<80x128xf32, #tpu.memory_space<vmem>>
        %dma_wait3A_132 = tpu.memref_slice %arg5[%add3A_100] : memref<5120xi32, #tpu.memory_space<vmem>> -> memref<80xi32, #tpu.memory_space<vmem>>
        %dma_wait3A_133 = arith.constant 0 : i32
        %dma_wait3A_134 = arith.constant 0 : i32
        %dma_wait3A_135 = tpu.memref_slice %arg2[%dma_wait3A_133, %dma_wait3A_134] : memref<100000x128xf32, #tpu.memory_space<hbm>> -> memref<100000x128xf32, #tpu.memory_space<hbm>>
        tpu.wait_indirect_dma semaphore(%arg10 : memref<!tpu.dma_semaphore, #tpu.memory_space<semaphore_mem>>) src(%dma_wait3A_135 : memref<100000x128xf32, #tpu.memory_space<hbm>>) dst(%dma_wait3A_131 : memref<80x128xf32, #tpu.memory_space<vmem>>)
        %mul3A_136 = arith.constant 2 : i32
        %mul3A_137 = arith.muli %mul3A_136, %scan3A_53 : i32
        %add3A_138 = arith.addi %mul3A_2, %mul3A_137 : i32
        %dma_start3A_139 = arith.constant 0 : i32
        %dma_start3A_140 = arith.constant 0 : i32
        %dma_start3A_141 = tpu.memref_slice %arg4[%add3A_138, %dma_start3A_139, %dma_start3A_140] : memref<1024x160x128xf32, #tpu.memory_space<hbm>> -> memref<1x160x128xf32, #tpu.memory_space<hbm>>
        %dma_start3A_142 = tpu.memref_squeeze %dma_start3A_141 : memref<1x160x128xf32, #tpu.memory_space<hbm>> -> memref<160x128xf32, #tpu.memory_space<hbm>>
        %dma_start3A_143 = arith.constant 0 : i32
        %dma_start3A_144 = arith.constant 0 : i32
        %dma_start3A_145 = tpu.memref_slice %arg4[%add3A_138, %dma_start3A_143, %dma_start3A_144] : memref<1024x160x128xf32, #tpu.memory_space<hbm>> -> memref<1x160x128xf32, #tpu.memory_space<hbm>>
        %dma_start3A_146 = tpu.memref_squeeze %dma_start3A_145 : memref<1x160x128xf32, #tpu.memory_space<hbm>> -> memref<160x128xf32, #tpu.memory_space<hbm>>
        tpu.enqueue_dma source(%arg8 : memref<160x128xf32, #tpu.memory_space<vmem>>) target(%dma_start3A_146 : memref<160x128xf32, #tpu.memory_space<hbm>>) target_semaphore(%arg11 : memref<!tpu.dma_semaphore, #tpu.memory_space<semaphore_mem>>)
        %mul3A_147 = arith.constant 2 : i32
        %mul3A_148 = arith.muli %mul3A_147, %scan3A_53 : i32
        %add3A_149 = arith.addi %mul3A_2, %mul3A_148 : i32
        %add3A_150 = arith.constant 1 : i32
        %add3A_151 = arith.addi %add3A_149, %add3A_150 : i32
        %dma_start3A_152 = arith.constant 0 : i32
        %dma_start3A_153 = arith.constant 0 : i32
        %dma_start3A_154 = tpu.memref_slice %arg4[%add3A_151, %dma_start3A_152, %dma_start3A_153] : memref<1024x160x128xf32, #tpu.memory_space<hbm>> -> memref<1x160x128xf32, #tpu.memory_space<hbm>>
        %dma_start3A_155 = tpu.memref_squeeze %dma_start3A_154 : memref<1x160x128xf32, #tpu.memory_space<hbm>> -> memref<160x128xf32, #tpu.memory_space<hbm>>
        %dma_start3A_156 = arith.constant 0 : i32
        %dma_start3A_157 = arith.constant 0 : i32
        %dma_start3A_158 = tpu.memref_slice %arg4[%add3A_151, %dma_start3A_156, %dma_start3A_157] : memref<1024x160x128xf32, #tpu.memory_space<hbm>> -> memref<1x160x128xf32, #tpu.memory_space<hbm>>
        %dma_start3A_159 = tpu.memref_squeeze %dma_start3A_158 : memref<1x160x128xf32, #tpu.memory_space<hbm>> -> memref<160x128xf32, #tpu.memory_space<hbm>>
        tpu.enqueue_dma source(%arg9 : memref<160x128xf32, #tpu.memory_space<vmem>>) target(%dma_start3A_159 : memref<160x128xf32, #tpu.memory_space<hbm>>) target_semaphore(%arg11 : memref<!tpu.dma_semaphore, #tpu.memory_space<semaphore_mem>>)
      } else {
      }
    }
    %scan3A_9 = arith.constant 16 : i32
    %add3A_10 = arith.constant 28 : i32
    %add3A_11 = arith.addi %mul3A_2, %add3A_10 : i32
    %dma_wait3A = arith.constant 0 : i32
    %dma_wait3A_12 = arith.constant 0 : i32
    %dma_wait3A_13 = tpu.memref_slice %arg4[%add3A_11, %dma_wait3A, %dma_wait3A_12] : memref<1024x160x128xf32, #tpu.memory_space<hbm>> -> memref<1x160x128xf32, #tpu.memory_space<hbm>>
    %dma_wait3A_14 = tpu.memref_squeeze %dma_wait3A_13 : memref<1x160x128xf32, #tpu.memory_space<hbm>> -> memref<160x128xf32, #tpu.memory_space<hbm>>
    %dma_wait3A_15 = arith.constant 0 : i32
    %dma_wait3A_16 = arith.constant 0 : i32
    %dma_wait3A_17 = tpu.memref_slice %arg4[%add3A_11, %dma_wait3A_15, %dma_wait3A_16] : memref<1024x160x128xf32, #tpu.memory_space<hbm>> -> memref<1x160x128xf32, #tpu.memory_space<hbm>>
    %dma_wait3A_18 = tpu.memref_squeeze %dma_wait3A_17 : memref<1x160x128xf32, #tpu.memory_space<hbm>> -> memref<160x128xf32, #tpu.memory_space<hbm>>
    tpu.wait_dma2 semaphore(%arg11 : memref<!tpu.dma_semaphore, #tpu.memory_space<semaphore_mem>>) src(%arg6 : memref<160x128xf32, #tpu.memory_space<vmem>>) dst(%dma_wait3A_18 : memref<160x128xf32, #tpu.memory_space<hbm>>)
    %add3A_19 = arith.constant 28 : i32
    %add3A_20 = arith.addi %mul3A_2, %add3A_19 : i32
    %add3A_21 = arith.constant 1 : i32
    %add3A_22 = arith.addi %add3A_20, %add3A_21 : i32
    %dma_wait3A_23 = arith.constant 0 : i32
    %dma_wait3A_24 = arith.constant 0 : i32
    %dma_wait3A_25 = tpu.memref_slice %arg4[%add3A_22, %dma_wait3A_23, %dma_wait3A_24] : memref<1024x160x128xf32, #tpu.memory_space<hbm>> -> memref<1x160x128xf32, #tpu.memory_space<hbm>>
    %dma_wait3A_26 = tpu.memref_squeeze %dma_wait3A_25 : memref<1x160x128xf32, #tpu.memory_space<hbm>> -> memref<160x128xf32, #tpu.memory_space<hbm>>
    %dma_wait3A_27 = arith.constant 0 : i32
    %dma_wait3A_28 = arith.constant 0 : i32
    %dma_wait3A_29 = tpu.memref_slice %arg4[%add3A_22, %dma_wait3A_27, %dma_wait3A_28] : memref<1024x160x128xf32, #tpu.memory_space<hbm>> -> memref<1x160x128xf32, #tpu.memory_space<hbm>>
    %dma_wait3A_30 = tpu.memref_squeeze %dma_wait3A_29 : memref<1x160x128xf32, #tpu.memory_space<hbm>> -> memref<160x128xf32, #tpu.memory_space<hbm>>
    tpu.wait_dma2 semaphore(%arg11 : memref<!tpu.dma_semaphore, #tpu.memory_space<semaphore_mem>>) src(%arg7 : memref<160x128xf32, #tpu.memory_space<vmem>>) dst(%dma_wait3A_30 : memref<160x128xf32, #tpu.memory_space<hbm>>)
    %add3A_31 = arith.constant 30 : i32
    %add3A_32 = arith.addi %mul3A_2, %add3A_31 : i32
    %dma_wait3A_33 = arith.constant 0 : i32
    %dma_wait3A_34 = arith.constant 0 : i32
    %dma_wait3A_35 = tpu.memref_slice %arg4[%add3A_32, %dma_wait3A_33, %dma_wait3A_34] : memref<1024x160x128xf32, #tpu.memory_space<hbm>> -> memref<1x160x128xf32, #tpu.memory_space<hbm>>
    %dma_wait3A_36 = tpu.memref_squeeze %dma_wait3A_35 : memref<1x160x128xf32, #tpu.memory_space<hbm>> -> memref<160x128xf32, #tpu.memory_space<hbm>>
    %dma_wait3A_37 = arith.constant 0 : i32
    %dma_wait3A_38 = arith.constant 0 : i32
    %dma_wait3A_39 = tpu.memref_slice %arg4[%add3A_32, %dma_wait3A_37, %dma_wait3A_38] : memref<1024x160x128xf32, #tpu.memory_space<hbm>> -> memref<1x160x128xf32, #tpu.memory_space<hbm>>
    %dma_wait3A_40 = tpu.memref_squeeze %dma_wait3A_39 : memref<1x160x128xf32, #tpu.memory_space<hbm>> -> memref<160x128xf32, #tpu.memory_space<hbm>>
    tpu.wait_dma2 semaphore(%arg11 : memref<!tpu.dma_semaphore, #tpu.memory_space<semaphore_mem>>) src(%arg8 : memref<160x128xf32, #tpu.memory_space<vmem>>) dst(%dma_wait3A_40 : memref<160x128xf32, #tpu.memory_space<hbm>>)
    %add3A_41 = arith.constant 30 : i32
    %add3A_42 = arith.addi %mul3A_2, %add3A_41 : i32
    %add3A_43 = arith.constant 1 : i32
    %add3A_44 = arith.addi %add3A_42, %add3A_43 : i32
    %dma_wait3A_45 = arith.constant 0 : i32
    %dma_wait3A_46 = arith.constant 0 : i32
    %dma_wait3A_47 = tpu.memref_slice %arg4[%add3A_44, %dma_wait3A_45, %dma_wait3A_46] : memref<1024x160x128xf32, #tpu.memory_space<hbm>> -> memref<1x160x128xf32, #tpu.memory_space<hbm>>
    %dma_wait3A_48 = tpu.memref_squeeze %dma_wait3A_47 : memref<1x160x128xf32, #tpu.memory_space<hbm>> -> memref<160x128xf32, #tpu.memory_space<hbm>>
    %dma_wait3A_49 = arith.constant 0 : i32
    %dma_wait3A_50 = arith.constant 0 : i32
    %dma_wait3A_51 = tpu.memref_slice %arg4[%add3A_44, %dma_wait3A_49, %dma_wait3A_50] : memref<1024x160x128xf32, #tpu.memory_space<hbm>> -> memref<1x160x128xf32, #tpu.memory_space<hbm>>
    %dma_wait3A_52 = tpu.memref_squeeze %dma_wait3A_51 : memref<1x160x128xf32, #tpu.memory_space<hbm>> -> memref<160x128xf32, #tpu.memory_space<hbm>>
    tpu.wait_dma2 semaphore(%arg11 : memref<!tpu.dma_semaphore, #tpu.memory_space<semaphore_mem>>) src(%arg9 : memref<160x128xf32, #tpu.memory_space<vmem>>) dst(%dma_wait3A_52 : memref<160x128xf32, #tpu.memory_space<hbm>>)
    return
  }
}

module attributes {stable_mosaic.version = 14 : i64} {
  func.func @_score_select_body(%arg0: i32, %arg1: memref<1024x128xf32, #tpu.memory_space<vmem>>, %arg2: memref<2048x128xf32, #tpu.memory_space<vmem>>, %arg3: memref<128x160xi32, #tpu.memory_space<vmem>>, %arg4: memref<49x1024x128xf32, #tpu.memory_space<vmem>>) attributes {dimension_semantics = [#tpu.dimension_semantics<arbitrary>], iteration_bounds = array<i64: 57>, scalar_prefetch = 0 : i64, scratch_operands = 1 : i64, tpu.core_type = #tpu.core_type<tc>, window_params = [{pipeline_mode = #tpu.pipeline_mode<synchronous>, transform_indices = @transform_0, window_bounds = array<i64: 1024, 128>}, {transform_indices = @transform_1, window_bounds = array<i64: 2048, 128>}, {transform_indices = @transform_2, window_bounds = array<i64: 128, 160>}]} {
    %lt3A = arith.constant 49 : i32
    %lt3A_0 = arith.cmpi slt, %arg0, %lt3A : i32
    %convert_element_type3A = arith.extui %lt3A_0 : i1 to i32
    %cond3A = arith.constant 0 : i32
    %cond3A_1 = arith.cmpi ne, %convert_element_type3A, %cond3A : i32
    scf.if %cond3A_1 {
      %get3A = arith.constant 0 : index
      %get3A_6 = arith.constant 0 : index
      %get3A_7 = vector.load %arg1[%get3A, %get3A_6] : memref<1024x128xf32, #tpu.memory_space<vmem>>, vector<1024x128xf32>
      %get3A_8 = arith.constant 0 : index
      %get3A_9 = arith.constant 0 : index
      %get3A_10 = vector.load %arg2[%get3A_8, %get3A_9] : memref<2048x128xf32, #tpu.memory_space<vmem>>, vector<2048x128xf32>
      %dot_general3A = arith.constant dense<0.000000e+00> : vector<1024x2048xf32>
      %dot_general3A_11 = tpu.matmul %get3A_7, %get3A_10, %dot_general3A {dimension_numbers = #tpu.dot_dimension_numbers<[1], [1], [0], [0], [0, 0, 1, 0], [], []>, transpose_lhs_hint = false} : vector<1024x128xf32>, vector<2048x128xf32>, vector<1024x2048xf32> -> vector<1024x2048xf32>
      %iota3A = tpu.iota {dimensions = array<i32: 1>} : vector<1x2048xi32>
      %mul3A = arith.constant 2048 : i32
      %mul3A_12 = arith.muli %arg0, %mul3A : i32
      %add3A = vector.broadcast %mul3A_12 : i32 to vector<1x2048xi32>
      %add3A_13 = arith.addi %iota3A, %add3A : vector<1x2048xi32>
      %lt3A_14 = arith.constant 100000 : i32
      %lt3A_15 = vector.broadcast %lt3A_14 : i32 to vector<1x2048xi32>
      %lt3A_16 = arith.cmpi slt, %add3A_13, %lt3A_15 : vector<1x2048xi32>
      %jit3A = arith.constant -3.000000e+38 : f32
      %broadcast_in_dim3A = vector.shape_cast %lt3A_16 : vector<1x2048xi1> to vector<1x2048xi1>
      %broadcast_in_dim3A_17 = vector.broadcast %broadcast_in_dim3A : vector<1x2048xi1> to vector<1024x2048xi1>
      %broadcast_in_dim3A_18 = vector.broadcast %jit3A : f32 to vector<1024x2048xf32>
      %select_n3A = arith.select %broadcast_in_dim3A_17, %dot_general3A_11, %broadcast_in_dim3A_18 : vector<1024x2048xi1>, vector<1024x2048xf32>
      %slice3A = vector.extract_strided_slice %select_n3A {offsets = [0, 0], sizes = [1024, 128], strides = [1, 1]} : vector<1024x2048xf32> to vector<1024x128xf32>
      %slice3A_19 = vector.extract_strided_slice %select_n3A {offsets = [0, 128], sizes = [1024, 128], strides = [1, 1]} : vector<1024x2048xf32> to vector<1024x128xf32>
      %max3A = arith.maximumf %slice3A, %slice3A_19 : vector<1024x128xf32>
      %slice3A_20 = vector.extract_strided_slice %select_n3A {offsets = [0, 256], sizes = [1024, 128], strides = [1, 1]} : vector<1024x2048xf32> to vector<1024x128xf32>
      %max3A_21 = arith.maximumf %max3A, %slice3A_20 : vector<1024x128xf32>
      %slice3A_22 = vector.extract_strided_slice %select_n3A {offsets = [0, 384], sizes = [1024, 128], strides = [1, 1]} : vector<1024x2048xf32> to vector<1024x128xf32>
      %max3A_23 = arith.maximumf %max3A_21, %slice3A_22 : vector<1024x128xf32>
      %slice3A_24 = vector.extract_strided_slice %select_n3A {offsets = [0, 512], sizes = [1024, 128], strides = [1, 1]} : vector<1024x2048xf32> to vector<1024x128xf32>
      %max3A_25 = arith.maximumf %max3A_23, %slice3A_24 : vector<1024x128xf32>
      %slice3A_26 = vector.extract_strided_slice %select_n3A {offsets = [0, 640], sizes = [1024, 128], strides = [1, 1]} : vector<1024x2048xf32> to vector<1024x128xf32>
      %max3A_27 = arith.maximumf %max3A_25, %slice3A_26 : vector<1024x128xf32>
      %slice3A_28 = vector.extract_strided_slice %select_n3A {offsets = [0, 768], sizes = [1024, 128], strides = [1, 1]} : vector<1024x2048xf32> to vector<1024x128xf32>
      %max3A_29 = arith.maximumf %max3A_27, %slice3A_28 : vector<1024x128xf32>
      %slice3A_30 = vector.extract_strided_slice %select_n3A {offsets = [0, 896], sizes = [1024, 128], strides = [1, 1]} : vector<1024x2048xf32> to vector<1024x128xf32>
      %max3A_31 = arith.maximumf %max3A_29, %slice3A_30 : vector<1024x128xf32>
      %slice3A_32 = vector.extract_strided_slice %select_n3A {offsets = [0, 1024], sizes = [1024, 128], strides = [1, 1]} : vector<1024x2048xf32> to vector<1024x128xf32>
      %max3A_33 = arith.maximumf %max3A_31, %slice3A_32 : vector<1024x128xf32>
      %slice3A_34 = vector.extract_strided_slice %select_n3A {offsets = [0, 1152], sizes = [1024, 128], strides = [1, 1]} : vector<1024x2048xf32> to vector<1024x128xf32>
      %max3A_35 = arith.maximumf %max3A_33, %slice3A_34 : vector<1024x128xf32>
      %slice3A_36 = vector.extract_strided_slice %select_n3A {offsets = [0, 1280], sizes = [1024, 128], strides = [1, 1]} : vector<1024x2048xf32> to vector<1024x128xf32>
      %max3A_37 = arith.maximumf %max3A_35, %slice3A_36 : vector<1024x128xf32>
      %slice3A_38 = vector.extract_strided_slice %select_n3A {offsets = [0, 1408], sizes = [1024, 128], strides = [1, 1]} : vector<1024x2048xf32> to vector<1024x128xf32>
      %max3A_39 = arith.maximumf %max3A_37, %slice3A_38 : vector<1024x128xf32>
      %slice3A_40 = vector.extract_strided_slice %select_n3A {offsets = [0, 1536], sizes = [1024, 128], strides = [1, 1]} : vector<1024x2048xf32> to vector<1024x128xf32>
      %max3A_41 = arith.maximumf %max3A_39, %slice3A_40 : vector<1024x128xf32>
      %slice3A_42 = vector.extract_strided_slice %select_n3A {offsets = [0, 1664], sizes = [1024, 128], strides = [1, 1]} : vector<1024x2048xf32> to vector<1024x128xf32>
      %max3A_43 = arith.maximumf %max3A_41, %slice3A_42 : vector<1024x128xf32>
      %slice3A_44 = vector.extract_strided_slice %select_n3A {offsets = [0, 1792], sizes = [1024, 128], strides = [1, 1]} : vector<1024x2048xf32> to vector<1024x128xf32>
      %max3A_45 = arith.maximumf %max3A_43, %slice3A_44 : vector<1024x128xf32>
      %slice3A_46 = vector.extract_strided_slice %select_n3A {offsets = [0, 1920], sizes = [1024, 128], strides = [1, 1]} : vector<1024x2048xf32> to vector<1024x128xf32>
      %max3A_47 = arith.maximumf %max3A_45, %slice3A_46 : vector<1024x128xf32>
      %swap3A = arith.index_cast %arg0 : i32 to index
      %swap3A_48 = arith.constant 0 : index
      %swap3A_49 = arith.constant 0 : index
      %swap3A_50 = vector.load %arg4[%swap3A, %swap3A_48, %swap3A_49] : memref<49x1024x128xf32, #tpu.memory_space<vmem>>, vector<1x1024x128xf32>
      %swap3A_51 = vector.shape_cast %swap3A_50 : vector<1x1024x128xf32> to vector<1024x128xf32>
      %swap3A_52 = vector.shape_cast %max3A_47 : vector<1024x128xf32> to vector<1x1024x128xf32>
      tpu.vector_store %arg4[%swap3A, %swap3A_48, %swap3A_49], %swap3A_52 {strides = array<i32>} : memref<49x1024x128xf32, #tpu.memory_space<vmem>>, vector<1x1024x128xf32>,
    } else {
    }
    %ge3A = arith.constant 49 : i32
    %ge3A_2 = arith.cmpi sge, %arg0, %ge3A : i32
    %convert_element_type3A_3 = arith.extui %ge3A_2 : i1 to i32
    %cond3A_4 = arith.constant 0 : i32
    %cond3A_5 = arith.cmpi ne, %convert_element_type3A_3, %cond3A_4 : i32
    scf.if %cond3A_5 {
      %sub3A = arith.constant 49 : i32
      %sub3A_6 = arith.subi %arg0, %sub3A : i32
      %mul3A = arith.constant 128 : i32
      %mul3A_7 = arith.muli %sub3A_6, %mul3A : i32
      %get3A = arith.constant 0 : index
      %get3A_8 = arith.index_cast %mul3A_7 : i32 to index
      %get3A_9 = arith.constant 0 : index
      %get3A_10 = vector.load %arg4[%get3A, %get3A_8, %get3A_9] : memref<49x1024x128xf32, #tpu.memory_space<vmem>>, vector<49x128x128xf32>
      %iota3A = tpu.iota {dimensions = array<i32: 0>} : vector<49x128x128xi32>
      %iota3A_11 = tpu.iota {dimensions = array<i32: 2>} : vector<49x128x128xi32>
      %mul3A_12 = arith.constant 128 : i32
      %mul3A_13 = vector.broadcast %mul3A_12 : i32 to vector<49x128x128xi32>
      %mul3A_14 = arith.muli %iota3A, %mul3A_13 : vector<49x128x128xi32>
      %add3A = arith.addi %mul3A_14, %iota3A_11 : vector<49x128x128xi32>
      %iota3A_15 = tpu.iota {dimensions = array<i32: 1>} : vector<1x16xi32>
      %reduce_max3A = arith.constant dense<0xFF800000> : vector<128x128xf32>
      %reduce_max3A_16 = vector.multi_reduction <maximumf>, %get3A_10, %reduce_max3A [0] : vector<49x128x128xf32> to vector<128x128xf32>
      %reduce_max3A_17 = arith.constant dense<0xFF800000> : vector<128xf32>
      %reduce_max3A_18 = vector.multi_reduction <maximumf>, %reduce_max3A_16, %reduce_max3A_17 [1] : vector<128x128xf32> to vector<128xf32>
      %broadcast_in_dim3A = vector.shape_cast %reduce_max3A_18 : vector<128xf32> to vector<128x1xf32>
      %reshape3A = vector.shape_cast %broadcast_in_dim3A : vector<128x1xf32> to vector<1x128x1xf32>
      %eq3A = vector.broadcast %reshape3A : vector<1x128x1xf32> to vector<49x128x128xf32>
      %eq3A_19 = arith.cmpf oeq, %get3A_10, %eq3A : vector<49x128x128xf32>
      %jit3A = arith.constant 1073741824 : i32
      %broadcast_in_dim3A_20 = vector.broadcast %jit3A : i32 to vector<49x128x128xi32>
      %select_n3A = arith.select %eq3A_19, %add3A, %broadcast_in_dim3A_20 : vector<49x128x128xi1>, vector<49x128x128xi32>
      %reduce_min3A = arith.constant dense<2147483647> : vector<128x128xi32>
      %reduce_min3A_21 = vector.multi_reduction <minsi>, %select_n3A, %reduce_min3A [0] : vector<49x128x128xi32> to vector<128x128xi32>
      %reduce_min3A_22 = arith.constant dense<2147483647> : vector<128xi32>
      %reduce_min3A_23 = vector.multi_reduction <minsi>, %reduce_min3A_21, %reduce_min3A_22 [1] : vector<128x128xi32> to vector<128xi32>
      %broadcast_in_dim3A_24 = vector.shape_cast %reduce_min3A_23 : vector<128xi32> to vector<128x1xi32>
      %shift_right_logical3A = arith.constant 7 : i32
      %shift_right_logical3A_25 = vector.broadcast %shift_right_logical3A : i32 to vector<128x1xi32>
      %shift_right_logical3A_26 = arith.shrui %broadcast_in_dim3A_24, %shift_right_logical3A_25 : vector<128x1xi32>
      %mul3A_27 = arith.constant 128 : i32
      %mul3A_28 = vector.broadcast %mul3A_27 : i32 to vector<128x1xi32>
      %mul3A_29 = arith.muli %shift_right_logical3A_26, %mul3A_28 : vector<128x1xi32>
      %sub3A_30 = arith.subi %broadcast_in_dim3A_24, %mul3A_29 : vector<128x1xi32>
      %mul3A_31 = arith.constant 2048 : i32
      %mul3A_32 = vector.broadcast %mul3A_31 : i32 to vector<128x1xi32>
      %mul3A_33 = arith.muli %shift_right_logical3A_26, %mul3A_32 : vector<128x1xi32>
      %add3A_34 = arith.addi %mul3A_33, %sub3A_30 : vector<128x1xi32>
      %mul3A_35 = arith.constant 128 : i32
      %mul3A_36 = vector.broadcast %mul3A_35 : i32 to vector<1x16xi32>
      %mul3A_37 = arith.muli %iota3A_15, %mul3A_36 : vector<1x16xi32>
      %add3A_38 = vector.broadcast %add3A_34 : vector<128x1xi32> to vector<128x16xi32>
      %add3A_39 = vector.broadcast %mul3A_37 : vector<1x16xi32> to vector<128x16xi32>
      %add3A_40 = arith.addi %add3A_38, %add3A_39 : vector<128x16xi32>
      %swap3A = arith.constant 0 : index
      %swap3A_41 = arith.constant 0 : index
      %swap3A_42 = vector.load %arg3[%swap3A, %swap3A_41] : memref<128x160xi32, #tpu.memory_space<vmem>>, vector<128x16xi32>
      tpu.vector_store %arg3[%swap3A, %swap3A_41], %add3A_40 {strides = array<i32>} : memref<128x160xi32, #tpu.memory_space<vmem>>, vector<128x16xi32>,
      %reshape3A_43 = vector.shape_cast %broadcast_in_dim3A_24 : vector<128x1xi32> to vector<1x128x1xi32>
      %eq3A_44 = vector.broadcast %reshape3A_43 : vector<1x128x1xi32> to vector<49x128x128xi32>
      %eq3A_45 = arith.cmpi eq, %add3A, %eq3A_44 : vector<49x128x128xi32>
      %jit3A_46 = arith.constant -3.000000e+38 : f32
      %broadcast_in_dim3A_47 = vector.broadcast %jit3A_46 : f32 to vector<49x128x128xf32>
      %select_n3A_48 = arith.select %eq3A_45, %broadcast_in_dim3A_47, %get3A_10 : vector<49x128x128xi1>, vector<49x128x128xf32>
      %reduce_max3A_49 = arith.constant dense<0xFF800000> : vector<128x128xf32>
      %reduce_max3A_50 = vector.multi_reduction <maximumf>, %select_n3A_48, %reduce_max3A_49 [0] : vector<49x128x128xf32> to vector<128x128xf32>
      %reduce_max3A_51 = arith.constant dense<0xFF800000> : vector<128xf32>
      %reduce_max3A_52 = vector.multi_reduction <maximumf>, %reduce_max3A_50, %reduce_max3A_51 [1] : vector<128x128xf32> to vector<128xf32>
      %broadcast_in_dim3A_53 = vector.shape_cast %reduce_max3A_52 : vector<128xf32> to vector<128x1xf32>
      %reshape3A_54 = vector.shape_cast %broadcast_in_dim3A_53 : vector<128x1xf32> to vector<1x128x1xf32>
      %eq3A_55 = vector.broadcast %reshape3A_54 : vector<1x128x1xf32> to vector<49x128x128xf32>
      %eq3A_56 = arith.cmpf oeq, %select_n3A_48, %eq3A_55 : vector<49x128x128xf32>
      %jit3A_57 = arith.constant 1073741824 : i32
      %broadcast_in_dim3A_58 = vector.broadcast %jit3A_57 : i32 to vector<49x128x128xi32>
      %select_n3A_59 = arith.select %eq3A_56, %add3A, %broadcast_in_dim3A_58 : vector<49x128x128xi1>, vector<49x128x128xi32>
      %reduce_min3A_60 = arith.constant dense<2147483647> : vector<128x128xi32>
      %reduce_min3A_61 = vector.multi_reduction <minsi>, %select_n3A_59, %reduce_min3A_60 [0] : vector<49x128x128xi32> to vector<128x128xi32>
      %reduce_min3A_62 = arith.constant dense<2147483647> : vector<128xi32>
      %reduce_min3A_63 = vector.multi_reduction <minsi>, %reduce_min3A_61, %reduce_min3A_62 [1] : vector<128x128xi32> to vector<128xi32>
      %broadcast_in_dim3A_64 = vector.shape_cast %reduce_min3A_63 : vector<128xi32> to vector<128x1xi32>
      %shift_right_logical3A_65 = arith.constant 7 : i32
      %shift_right_logical3A_66 = vector.broadcast %shift_right_logical3A_65 : i32 to vector<128x1xi32>
      %shift_right_logical3A_67 = arith.shrui %broadcast_in_dim3A_64, %shift_right_logical3A_66 : vector<128x1xi32>
      %mul3A_68 = arith.constant 128 : i32
      %mul3A_69 = vector.broadcast %mul3A_68 : i32 to vector<128x1xi32>
      %mul3A_70 = arith.muli %shift_right_logical3A_67, %mul3A_69 : vector<128x1xi32>
      %sub3A_71 = arith.subi %broadcast_in_dim3A_64, %mul3A_70 : vector<128x1xi32>
      %mul3A_72 = arith.constant 2048 : i32
      %mul3A_73 = vector.broadcast %mul3A_72 : i32 to vector<128x1xi32>
      %mul3A_74 = arith.muli %shift_right_logical3A_67, %mul3A_73 : vector<128x1xi32>
      %add3A_75 = arith.addi %mul3A_74, %sub3A_71 : vector<128x1xi32>
      %mul3A_76 = arith.constant 128 : i32
      %mul3A_77 = vector.broadcast %mul3A_76 : i32 to vector<1x16xi32>
      %mul3A_78 = arith.muli %iota3A_15, %mul3A_77 : vector<1x16xi32>
      %add3A_79 = vector.broadcast %add3A_75 : vector<128x1xi32> to vector<128x16xi32>
      %add3A_80 = vector.broadcast %mul3A_78 : vector<1x16xi32> to vector<128x16xi32>
      %add3A_81 = arith.addi %add3A_79, %add3A_80 : vector<128x16xi32>
      %swap3A_82 = arith.constant 0 : index
      %swap3A_83 = arith.constant 16 : index
      %swap3A_84 = vector.load %arg3[%swap3A_82, %swap3A_83] : memref<128x160xi32, #tpu.memory_space<vmem>>, vector<128x16xi32>
      tpu.vector_store %arg3[%swap3A_82, %swap3A_83], %add3A_81 {strides = array<i32>} : memref<128x160xi32, #tpu.memory_space<vmem>>, vector<128x16xi32>,
      %reshape3A_85 = vector.shape_cast %broadcast_in_dim3A_64 : vector<128x1xi32> to vector<1x128x1xi32>
      %eq3A_86 = vector.broadcast %reshape3A_85 : vector<1x128x1xi32> to vector<49x128x128xi32>
      %eq3A_87 = arith.cmpi eq, %add3A, %eq3A_86 : vector<49x128x128xi32>
      %jit3A_88 = arith.constant -3.000000e+38 : f32
      %broadcast_in_dim3A_89 = vector.broadcast %jit3A_88 : f32 to vector<49x128x128xf32>
      %select_n3A_90 = arith.select %eq3A_87, %broadcast_in_dim3A_89, %select_n3A_48 : vector<49x128x128xi1>, vector<49x128x128xf32>
      %reduce_max3A_91 = arith.constant dense<0xFF800000> : vector<128x128xf32>
      %reduce_max3A_92 = vector.multi_reduction <maximumf>, %select_n3A_90, %reduce_max3A_91 [0] : vector<49x128x128xf32> to vector<128x128xf32>
      %reduce_max3A_93 = arith.constant dense<0xFF800000> : vector<128xf32>
      %reduce_max3A_94 = vector.multi_reduction <maximumf>, %reduce_max3A_92, %reduce_max3A_93 [1] : vector<128x128xf32> to vector<128xf32>
      %broadcast_in_dim3A_95 = vector.shape_cast %reduce_max3A_94 : vector<128xf32> to vector<128x1xf32>
      %reshape3A_96 = vector.shape_cast %broadcast_in_dim3A_95 : vector<128x1xf32> to vector<1x128x1xf32>
      %eq3A_97 = vector.broadcast %reshape3A_96 : vector<1x128x1xf32> to vector<49x128x128xf32>
      %eq3A_98 = arith.cmpf oeq, %select_n3A_90, %eq3A_97 : vector<49x128x128xf32>
      %jit3A_99 = arith.constant 1073741824 : i32
      %broadcast_in_dim3A_100 = vector.broadcast %jit3A_99 : i32 to vector<49x128x128xi32>
      %select_n3A_101 = arith.select %eq3A_98, %add3A, %broadcast_in_dim3A_100 : vector<49x128x128xi1>, vector<49x128x128xi32>
      %reduce_min3A_102 = arith.constant dense<2147483647> : vector<128x128xi32>
      %reduce_min3A_103 = vector.multi_reduction <minsi>, %select_n3A_101, %reduce_min3A_102 [0] : vector<49x128x128xi32> to vector<128x128xi32>
      %reduce_min3A_104 = arith.constant dense<2147483647> : vector<128xi32>
      %reduce_min3A_105 = vector.multi_reduction <minsi>, %reduce_min3A_103, %reduce_min3A_104 [1] : vector<128x128xi32> to vector<128xi32>
      %broadcast_in_dim3A_106 = vector.shape_cast %reduce_min3A_105 : vector<128xi32> to vector<128x1xi32>
      %shift_right_logical3A_107 = arith.constant 7 : i32
      %shift_right_logical3A_108 = vector.broadcast %shift_right_logical3A_107 : i32 to vector<128x1xi32>
      %shift_right_logical3A_109 = arith.shrui %broadcast_in_dim3A_106, %shift_right_logical3A_108 : vector<128x1xi32>
      %mul3A_110 = arith.constant 128 : i32
      %mul3A_111 = vector.broadcast %mul3A_110 : i32 to vector<128x1xi32>
      %mul3A_112 = arith.muli %shift_right_logical3A_109, %mul3A_111 : vector<128x1xi32>
      %sub3A_113 = arith.subi %broadcast_in_dim3A_106, %mul3A_112 : vector<128x1xi32>
      %mul3A_114 = arith.constant 2048 : i32
      %mul3A_115 = vector.broadcast %mul3A_114 : i32 to vector<128x1xi32>
      %mul3A_116 = arith.muli %shift_right_logical3A_109, %mul3A_115 : vector<128x1xi32>
      %add3A_117 = arith.addi %mul3A_116, %sub3A_113 : vector<128x1xi32>
      %mul3A_118 = arith.constant 128 : i32
      %mul3A_119 = vector.broadcast %mul3A_118 : i32 to vector<1x16xi32>
      %mul3A_120 = arith.muli %iota3A_15, %mul3A_119 : vector<1x16xi32>
      %add3A_121 = vector.broadcast %add3A_117 : vector<128x1xi32> to vector<128x16xi32>
      %add3A_122 = vector.broadcast %mul3A_120 : vector<1x16xi32> to vector<128x16xi32>
      %add3A_123 = arith.addi %add3A_121, %add3A_122 : vector<128x16xi32>
      %swap3A_124 = arith.constant 0 : index
      %swap3A_125 = arith.constant 32 : index
      %swap3A_126 = vector.load %arg3[%swap3A_124, %swap3A_125] : memref<128x160xi32, #tpu.memory_space<vmem>>, vector<128x16xi32>
      tpu.vector_store %arg3[%swap3A_124, %swap3A_125], %add3A_123 {strides = array<i32>} : memref<128x160xi32, #tpu.memory_space<vmem>>, vector<128x16xi32>,
      %reshape3A_127 = vector.shape_cast %broadcast_in_dim3A_106 : vector<128x1xi32> to vector<1x128x1xi32>
      %eq3A_128 = vector.broadcast %reshape3A_127 : vector<1x128x1xi32> to vector<49x128x128xi32>
      %eq3A_129 = arith.cmpi eq, %add3A, %eq3A_128 : vector<49x128x128xi32>
      %jit3A_130 = arith.constant -3.000000e+38 : f32
      %broadcast_in_dim3A_131 = vector.broadcast %jit3A_130 : f32 to vector<49x128x128xf32>
      %select_n3A_132 = arith.select %eq3A_129, %broadcast_in_dim3A_131, %select_n3A_90 : vector<49x128x128xi1>, vector<49x128x128xf32>
      %reduce_max3A_133 = arith.constant dense<0xFF800000> : vector<128x128xf32>
      %reduce_max3A_134 = vector.multi_reduction <maximumf>, %select_n3A_132, %reduce_max3A_133 [0] : vector<49x128x128xf32> to vector<128x128xf32>
      %reduce_max3A_135 = arith.constant dense<0xFF800000> : vector<128xf32>
      %reduce_max3A_136 = vector.multi_reduction <maximumf>, %reduce_max3A_134, %reduce_max3A_135 [1] : vector<128x128xf32> to vector<128xf32>
      %broadcast_in_dim3A_137 = vector.shape_cast %reduce_max3A_136 : vector<128xf32> to vector<128x1xf32>
      %reshape3A_138 = vector.shape_cast %broadcast_in_dim3A_137 : vector<128x1xf32> to vector<1x128x1xf32>
      %eq3A_139 = vector.broadcast %reshape3A_138 : vector<1x128x1xf32> to vector<49x128x128xf32>
      %eq3A_140 = arith.cmpf oeq, %select_n3A_132, %eq3A_139 : vector<49x128x128xf32>
      %jit3A_141 = arith.constant 1073741824 : i32
      %broadcast_in_dim3A_142 = vector.broadcast %jit3A_141 : i32 to vector<49x128x128xi32>
      %select_n3A_143 = arith.select %eq3A_140, %add3A, %broadcast_in_dim3A_142 : vector<49x128x128xi1>, vector<49x128x128xi32>
      %reduce_min3A_144 = arith.constant dense<2147483647> : vector<128x128xi32>
      %reduce_min3A_145 = vector.multi_reduction <minsi>, %select_n3A_143, %reduce_min3A_144 [0] : vector<49x128x128xi32> to vector<128x128xi32>
      %reduce_min3A_146 = arith.constant dense<2147483647> : vector<128xi32>
      %reduce_min3A_147 = vector.multi_reduction <minsi>, %reduce_min3A_145, %reduce_min3A_146 [1] : vector<128x128xi32> to vector<128xi32>
      %broadcast_in_dim3A_148 = vector.shape_cast %reduce_min3A_147 : vector<128xi32> to vector<128x1xi32>
      %shift_right_logical3A_149 = arith.constant 7 : i32
      %shift_right_logical3A_150 = vector.broadcast %shift_right_logical3A_149 : i32 to vector<128x1xi32>
      %shift_right_logical3A_151 = arith.shrui %broadcast_in_dim3A_148, %shift_right_logical3A_150 : vector<128x1xi32>
      %mul3A_152 = arith.constant 128 : i32
      %mul3A_153 = vector.broadcast %mul3A_152 : i32 to vector<128x1xi32>
      %mul3A_154 = arith.muli %shift_right_logical3A_151, %mul3A_153 : vector<128x1xi32>
      %sub3A_155 = arith.subi %broadcast_in_dim3A_148, %mul3A_154 : vector<128x1xi32>
      %mul3A_156 = arith.constant 2048 : i32
      %mul3A_157 = vector.broadcast %mul3A_156 : i32 to vector<128x1xi32>
      %mul3A_158 = arith.muli %shift_right_logical3A_151, %mul3A_157 : vector<128x1xi32>
      %add3A_159 = arith.addi %mul3A_158, %sub3A_155 : vector<128x1xi32>
      %mul3A_160 = arith.constant 128 : i32
      %mul3A_161 = vector.broadcast %mul3A_160 : i32 to vector<1x16xi32>
      %mul3A_162 = arith.muli %iota3A_15, %mul3A_161 : vector<1x16xi32>
      %add3A_163 = vector.broadcast %add3A_159 : vector<128x1xi32> to vector<128x16xi32>
      %add3A_164 = vector.broadcast %mul3A_162 : vector<1x16xi32> to vector<128x16xi32>
      %add3A_165 = arith.addi %add3A_163, %add3A_164 : vector<128x16xi32>
      %swap3A_166 = arith.constant 0 : index
      %swap3A_167 = arith.constant 48 : index
      %swap3A_168 = vector.load %arg3[%swap3A_166, %swap3A_167] : memref<128x160xi32, #tpu.memory_space<vmem>>, vector<128x16xi32>
      tpu.vector_store %arg3[%swap3A_166, %swap3A_167], %add3A_165 {strides = array<i32>} : memref<128x160xi32, #tpu.memory_space<vmem>>, vector<128x16xi32>,
      %reshape3A_169 = vector.shape_cast %broadcast_in_dim3A_148 : vector<128x1xi32> to vector<1x128x1xi32>
      %eq3A_170 = vector.broadcast %reshape3A_169 : vector<1x128x1xi32> to vector<49x128x128xi32>
      %eq3A_171 = arith.cmpi eq, %add3A, %eq3A_170 : vector<49x128x128xi32>
      %jit3A_172 = arith.constant -3.000000e+38 : f32
      %broadcast_in_dim3A_173 = vector.broadcast %jit3A_172 : f32 to vector<49x128x128xf32>
      %select_n3A_174 = arith.select %eq3A_171, %broadcast_in_dim3A_173, %select_n3A_132 : vector<49x128x128xi1>, vector<49x128x128xf32>
      %reduce_max3A_175 = arith.constant dense<0xFF800000> : vector<128x128xf32>
      %reduce_max3A_176 = vector.multi_reduction <maximumf>, %select_n3A_174, %reduce_max3A_175 [0] : vector<49x128x128xf32> to vector<128x128xf32>
      %reduce_max3A_177 = arith.constant dense<0xFF800000> : vector<128xf32>
      %reduce_max3A_178 = vector.multi_reduction <maximumf>, %reduce_max3A_176, %reduce_max3A_177 [1] : vector<128x128xf32> to vector<128xf32>
      %broadcast_in_dim3A_179 = vector.shape_cast %reduce_max3A_178 : vector<128xf32> to vector<128x1xf32>
      %reshape3A_180 = vector.shape_cast %broadcast_in_dim3A_179 : vector<128x1xf32> to vector<1x128x1xf32>
      %eq3A_181 = vector.broadcast %reshape3A_180 : vector<1x128x1xf32> to vector<49x128x128xf32>
      %eq3A_182 = arith.cmpf oeq, %select_n3A_174, %eq3A_181 : vector<49x128x128xf32>
      %jit3A_183 = arith.constant 1073741824 : i32
      %broadcast_in_dim3A_184 = vector.broadcast %jit3A_183 : i32 to vector<49x128x128xi32>
      %select_n3A_185 = arith.select %eq3A_182, %add3A, %broadcast_in_dim3A_184 : vector<49x128x128xi1>, vector<49x128x128xi32>
      %reduce_min3A_186 = arith.constant dense<2147483647> : vector<128x128xi32>
      %reduce_min3A_187 = vector.multi_reduction <minsi>, %select_n3A_185, %reduce_min3A_186 [0] : vector<49x128x128xi32> to vector<128x128xi32>
      %reduce_min3A_188 = arith.constant dense<2147483647> : vector<128xi32>
      %reduce_min3A_189 = vector.multi_reduction <minsi>, %reduce_min3A_187, %reduce_min3A_188 [1] : vector<128x128xi32> to vector<128xi32>
      %broadcast_in_dim3A_190 = vector.shape_cast %reduce_min3A_189 : vector<128xi32> to vector<128x1xi32>
      %shift_right_logical3A_191 = arith.constant 7 : i32
      %shift_right_logical3A_192 = vector.broadcast %shift_right_logical3A_191 : i32 to vector<128x1xi32>
      %shift_right_logical3A_193 = arith.shrui %broadcast_in_dim3A_190, %shift_right_logical3A_192 : vector<128x1xi32>
      %mul3A_194 = arith.constant 128 : i32
      %mul3A_195 = vector.broadcast %mul3A_194 : i32 to vector<128x1xi32>
      %mul3A_196 = arith.muli %shift_right_logical3A_193, %mul3A_195 : vector<128x1xi32>
      %sub3A_197 = arith.subi %broadcast_in_dim3A_190, %mul3A_196 : vector<128x1xi32>
      %mul3A_198 = arith.constant 2048 : i32
      %mul3A_199 = vector.broadcast %mul3A_198 : i32 to vector<128x1xi32>
      %mul3A_200 = arith.muli %shift_right_logical3A_193, %mul3A_199 : vector<128x1xi32>
      %add3A_201 = arith.addi %mul3A_200, %sub3A_197 : vector<128x1xi32>
      %mul3A_202 = arith.constant 128 : i32
      %mul3A_203 = vector.broadcast %mul3A_202 : i32 to vector<1x16xi32>
      %mul3A_204 = arith.muli %iota3A_15, %mul3A_203 : vector<1x16xi32>
      %add3A_205 = vector.broadcast %add3A_201 : vector<128x1xi32> to vector<128x16xi32>
      %add3A_206 = vector.broadcast %mul3A_204 : vector<1x16xi32> to vector<128x16xi32>
      %add3A_207 = arith.addi %add3A_205, %add3A_206 : vector<128x16xi32>
      %swap3A_208 = arith.constant 0 : index
      %swap3A_209 = arith.constant 64 : index
      %swap3A_210 = vector.load %arg3[%swap3A_208, %swap3A_209] : memref<128x160xi32, #tpu.memory_space<vmem>>, vector<128x16xi32>
      tpu.vector_store %arg3[%swap3A_208, %swap3A_209], %add3A_207 {strides = array<i32>} : memref<128x160xi32, #tpu.memory_space<vmem>>, vector<128x16xi32>,
      %reshape3A_211 = vector.shape_cast %broadcast_in_dim3A_190 : vector<128x1xi32> to vector<1x128x1xi32>
      %eq3A_212 = vector.broadcast %reshape3A_211 : vector<1x128x1xi32> to vector<49x128x128xi32>
      %eq3A_213 = arith.cmpi eq, %add3A, %eq3A_212 : vector<49x128x128xi32>
      %jit3A_214 = arith.constant -3.000000e+38 : f32
      %broadcast_in_dim3A_215 = vector.broadcast %jit3A_214 : f32 to vector<49x128x128xf32>
      %select_n3A_216 = arith.select %eq3A_213, %broadcast_in_dim3A_215, %select_n3A_174 : vector<49x128x128xi1>, vector<49x128x128xf32>
      %reduce_max3A_217 = arith.constant dense<0xFF800000> : vector<128x128xf32>
      %reduce_max3A_218 = vector.multi_reduction <maximumf>, %select_n3A_216, %reduce_max3A_217 [0] : vector<49x128x128xf32> to vector<128x128xf32>
      %reduce_max3A_219 = arith.constant dense<0xFF800000> : vector<128xf32>
      %reduce_max3A_220 = vector.multi_reduction <maximumf>, %reduce_max3A_218, %reduce_max3A_219 [1] : vector<128x128xf32> to vector<128xf32>
      %broadcast_in_dim3A_221 = vector.shape_cast %reduce_max3A_220 : vector<128xf32> to vector<128x1xf32>
      %reshape3A_222 = vector.shape_cast %broadcast_in_dim3A_221 : vector<128x1xf32> to vector<1x128x1xf32>
      %eq3A_223 = vector.broadcast %reshape3A_222 : vector<1x128x1xf32> to vector<49x128x128xf32>
      %eq3A_224 = arith.cmpf oeq, %select_n3A_216, %eq3A_223 : vector<49x128x128xf32>
      %jit3A_225 = arith.constant 1073741824 : i32
      %broadcast_in_dim3A_226 = vector.broadcast %jit3A_225 : i32 to vector<49x128x128xi32>
      %select_n3A_227 = arith.select %eq3A_224, %add3A, %broadcast_in_dim3A_226 : vector<49x128x128xi1>, vector<49x128x128xi32>
      %reduce_min3A_228 = arith.constant dense<2147483647> : vector<128x128xi32>
      %reduce_min3A_229 = vector.multi_reduction <minsi>, %select_n3A_227, %reduce_min3A_228 [0] : vector<49x128x128xi32> to vector<128x128xi32>
      %reduce_min3A_230 = arith.constant dense<2147483647> : vector<128xi32>
      %reduce_min3A_231 = vector.multi_reduction <minsi>, %reduce_min3A_229, %reduce_min3A_230 [1] : vector<128x128xi32> to vector<128xi32>
      %broadcast_in_dim3A_232 = vector.shape_cast %reduce_min3A_231 : vector<128xi32> to vector<128x1xi32>
      %shift_right_logical3A_233 = arith.constant 7 : i32
      %shift_right_logical3A_234 = vector.broadcast %shift_right_logical3A_233 : i32 to vector<128x1xi32>
      %shift_right_logical3A_235 = arith.shrui %broadcast_in_dim3A_232, %shift_right_logical3A_234 : vector<128x1xi32>
      %mul3A_236 = arith.constant 128 : i32
      %mul3A_237 = vector.broadcast %mul3A_236 : i32 to vector<128x1xi32>
      %mul3A_238 = arith.muli %shift_right_logical3A_235, %mul3A_237 : vector<128x1xi32>
      %sub3A_239 = arith.subi %broadcast_in_dim3A_232, %mul3A_238 : vector<128x1xi32>
      %mul3A_240 = arith.constant 2048 : i32
      %mul3A_241 = vector.broadcast %mul3A_240 : i32 to vector<128x1xi32>
      %mul3A_242 = arith.muli %shift_right_logical3A_235, %mul3A_241 : vector<128x1xi32>
      %add3A_243 = arith.addi %mul3A_242, %sub3A_239 : vector<128x1xi32>
      %mul3A_244 = arith.constant 128 : i32
      %mul3A_245 = vector.broadcast %mul3A_244 : i32 to vector<1x16xi32>
      %mul3A_246 = arith.muli %iota3A_15, %mul3A_245 : vector<1x16xi32>
      %add3A_247 = vector.broadcast %add3A_243 : vector<128x1xi32> to vector<128x16xi32>
      %add3A_248 = vector.broadcast %mul3A_246 : vector<1x16xi32> to vector<128x16xi32>
      %add3A_249 = arith.addi %add3A_247, %add3A_248 : vector<128x16xi32>
      %swap3A_250 = arith.constant 0 : index
      %swap3A_251 = arith.constant 80 : index
      %swap3A_252 = vector.load %arg3[%swap3A_250, %swap3A_251] : memref<128x160xi32, #tpu.memory_space<vmem>>, vector<128x16xi32>
      tpu.vector_store %arg3[%swap3A_250, %swap3A_251], %add3A_249 {strides = array<i32>} : memref<128x160xi32, #tpu.memory_space<vmem>>, vector<128x16xi32>,
      %reshape3A_253 = vector.shape_cast %broadcast_in_dim3A_232 : vector<128x1xi32> to vector<1x128x1xi32>
      %eq3A_254 = vector.broadcast %reshape3A_253 : vector<1x128x1xi32> to vector<49x128x128xi32>
      %eq3A_255 = arith.cmpi eq, %add3A, %eq3A_254 : vector<49x128x128xi32>
      %jit3A_256 = arith.constant -3.000000e+38 : f32
      %broadcast_in_dim3A_257 = vector.broadcast %jit3A_256 : f32 to vector<49x128x128xf32>
      %select_n3A_258 = arith.select %eq3A_255, %broadcast_in_dim3A_257, %select_n3A_216 : vector<49x128x128xi1>, vector<49x128x128xf32>
      %reduce_max3A_259 = arith.constant dense<0xFF800000> : vector<128x128xf32>
      %reduce_max3A_260 = vector.multi_reduction <maximumf>, %select_n3A_258, %reduce_max3A_259 [0] : vector<49x128x128xf32> to vector<128x128xf32>
      %reduce_max3A_261 = arith.constant dense<0xFF800000> : vector<128xf32>
      %reduce_max3A_262 = vector.multi_reduction <maximumf>, %reduce_max3A_260, %reduce_max3A_261 [1] : vector<128x128xf32> to vector<128xf32>
      %broadcast_in_dim3A_263 = vector.shape_cast %reduce_max3A_262 : vector<128xf32> to vector<128x1xf32>
      %reshape3A_264 = vector.shape_cast %broadcast_in_dim3A_263 : vector<128x1xf32> to vector<1x128x1xf32>
      %eq3A_265 = vector.broadcast %reshape3A_264 : vector<1x128x1xf32> to vector<49x128x128xf32>
      %eq3A_266 = arith.cmpf oeq, %select_n3A_258, %eq3A_265 : vector<49x128x128xf32>
      %jit3A_267 = arith.constant 1073741824 : i32
      %broadcast_in_dim3A_268 = vector.broadcast %jit3A_267 : i32 to vector<49x128x128xi32>
      %select_n3A_269 = arith.select %eq3A_266, %add3A, %broadcast_in_dim3A_268 : vector<49x128x128xi1>, vector<49x128x128xi32>
      %reduce_min3A_270 = arith.constant dense<2147483647> : vector<128x128xi32>
      %reduce_min3A_271 = vector.multi_reduction <minsi>, %select_n3A_269, %reduce_min3A_270 [0] : vector<49x128x128xi32> to vector<128x128xi32>
      %reduce_min3A_272 = arith.constant dense<2147483647> : vector<128xi32>
      %reduce_min3A_273 = vector.multi_reduction <minsi>, %reduce_min3A_271, %reduce_min3A_272 [1] : vector<128x128xi32> to vector<128xi32>
      %broadcast_in_dim3A_274 = vector.shape_cast %reduce_min3A_273 : vector<128xi32> to vector<128x1xi32>
      %shift_right_logical3A_275 = arith.constant 7 : i32
      %shift_right_logical3A_276 = vector.broadcast %shift_right_logical3A_275 : i32 to vector<128x1xi32>
      %shift_right_logical3A_277 = arith.shrui %broadcast_in_dim3A_274, %shift_right_logical3A_276 : vector<128x1xi32>
      %mul3A_278 = arith.constant 128 : i32
      %mul3A_279 = vector.broadcast %mul3A_278 : i32 to vector<128x1xi32>
      %mul3A_280 = arith.muli %shift_right_logical3A_277, %mul3A_279 : vector<128x1xi32>
      %sub3A_281 = arith.subi %broadcast_in_dim3A_274, %mul3A_280 : vector<128x1xi32>
      %mul3A_282 = arith.constant 2048 : i32
      %mul3A_283 = vector.broadcast %mul3A_282 : i32 to vector<128x1xi32>
      %mul3A_284 = arith.muli %shift_right_logical3A_277, %mul3A_283 : vector<128x1xi32>
      %add3A_285 = arith.addi %mul3A_284, %sub3A_281 : vector<128x1xi32>
      %mul3A_286 = arith.constant 128 : i32
      %mul3A_287 = vector.broadcast %mul3A_286 : i32 to vector<1x16xi32>
      %mul3A_288 = arith.muli %iota3A_15, %mul3A_287 : vector<1x16xi32>
      %add3A_289 = vector.broadcast %add3A_285 : vector<128x1xi32> to vector<128x16xi32>
      %add3A_290 = vector.broadcast %mul3A_288 : vector<1x16xi32> to vector<128x16xi32>
      %add3A_291 = arith.addi %add3A_289, %add3A_290 : vector<128x16xi32>
      %swap3A_292 = arith.constant 0 : index
      %swap3A_293 = arith.constant 96 : index
      %swap3A_294 = vector.load %arg3[%swap3A_292, %swap3A_293] : memref<128x160xi32, #tpu.memory_space<vmem>>, vector<128x16xi32>
      tpu.vector_store %arg3[%swap3A_292, %swap3A_293], %add3A_291 {strides = array<i32>} : memref<128x160xi32, #tpu.memory_space<vmem>>, vector<128x16xi32>,
      %reshape3A_295 = vector.shape_cast %broadcast_in_dim3A_274 : vector<128x1xi32> to vector<1x128x1xi32>
      %eq3A_296 = vector.broadcast %reshape3A_295 : vector<1x128x1xi32> to vector<49x128x128xi32>
      %eq3A_297 = arith.cmpi eq, %add3A, %eq3A_296 : vector<49x128x128xi32>
      %jit3A_298 = arith.constant -3.000000e+38 : f32
      %broadcast_in_dim3A_299 = vector.broadcast %jit3A_298 : f32 to vector<49x128x128xf32>
      %select_n3A_300 = arith.select %eq3A_297, %broadcast_in_dim3A_299, %select_n3A_258 : vector<49x128x128xi1>, vector<49x128x128xf32>
      %reduce_max3A_301 = arith.constant dense<0xFF800000> : vector<128x128xf32>
      %reduce_max3A_302 = vector.multi_reduction <maximumf>, %select_n3A_300, %reduce_max3A_301 [0] : vector<49x128x128xf32> to vector<128x128xf32>
      %reduce_max3A_303 = arith.constant dense<0xFF800000> : vector<128xf32>
      %reduce_max3A_304 = vector.multi_reduction <maximumf>, %reduce_max3A_302, %reduce_max3A_303 [1] : vector<128x128xf32> to vector<128xf32>
      %broadcast_in_dim3A_305 = vector.shape_cast %reduce_max3A_304 : vector<128xf32> to vector<128x1xf32>
      %reshape3A_306 = vector.shape_cast %broadcast_in_dim3A_305 : vector<128x1xf32> to vector<1x128x1xf32>
      %eq3A_307 = vector.broadcast %reshape3A_306 : vector<1x128x1xf32> to vector<49x128x128xf32>
      %eq3A_308 = arith.cmpf oeq, %select_n3A_300, %eq3A_307 : vector<49x128x128xf32>
      %jit3A_309 = arith.constant 1073741824 : i32
      %broadcast_in_dim3A_310 = vector.broadcast %jit3A_309 : i32 to vector<49x128x128xi32>
      %select_n3A_311 = arith.select %eq3A_308, %add3A, %broadcast_in_dim3A_310 : vector<49x128x128xi1>, vector<49x128x128xi32>
      %reduce_min3A_312 = arith.constant dense<2147483647> : vector<128x128xi32>
      %reduce_min3A_313 = vector.multi_reduction <minsi>, %select_n3A_311, %reduce_min3A_312 [0] : vector<49x128x128xi32> to vector<128x128xi32>
      %reduce_min3A_314 = arith.constant dense<2147483647> : vector<128xi32>
      %reduce_min3A_315 = vector.multi_reduction <minsi>, %reduce_min3A_313, %reduce_min3A_314 [1] : vector<128x128xi32> to vector<128xi32>
      %broadcast_in_dim3A_316 = vector.shape_cast %reduce_min3A_315 : vector<128xi32> to vector<128x1xi32>
      %shift_right_logical3A_317 = arith.constant 7 : i32
      %shift_right_logical3A_318 = vector.broadcast %shift_right_logical3A_317 : i32 to vector<128x1xi32>
      %shift_right_logical3A_319 = arith.shrui %broadcast_in_dim3A_316, %shift_right_logical3A_318 : vector<128x1xi32>
      %mul3A_320 = arith.constant 128 : i32
      %mul3A_321 = vector.broadcast %mul3A_320 : i32 to vector<128x1xi32>
      %mul3A_322 = arith.muli %shift_right_logical3A_319, %mul3A_321 : vector<128x1xi32>
      %sub3A_323 = arith.subi %broadcast_in_dim3A_316, %mul3A_322 : vector<128x1xi32>
      %mul3A_324 = arith.constant 2048 : i32
      %mul3A_325 = vector.broadcast %mul3A_324 : i32 to vector<128x1xi32>
      %mul3A_326 = arith.muli %shift_right_logical3A_319, %mul3A_325 : vector<128x1xi32>
      %add3A_327 = arith.addi %mul3A_326, %sub3A_323 : vector<128x1xi32>
      %mul3A_328 = arith.constant 128 : i32
      %mul3A_329 = vector.broadcast %mul3A_328 : i32 to vector<1x16xi32>
      %mul3A_330 = arith.muli %iota3A_15, %mul3A_329 : vector<1x16xi32>
      %add3A_331 = vector.broadcast %add3A_327 : vector<128x1xi32> to vector<128x16xi32>
      %add3A_332 = vector.broadcast %mul3A_330 : vector<1x16xi32> to vector<128x16xi32>
      %add3A_333 = arith.addi %add3A_331, %add3A_332 : vector<128x16xi32>
      %swap3A_334 = arith.constant 0 : index
      %swap3A_335 = arith.constant 112 : index
      %swap3A_336 = vector.load %arg3[%swap3A_334, %swap3A_335] : memref<128x160xi32, #tpu.memory_space<vmem>>, vector<128x16xi32>
      tpu.vector_store %arg3[%swap3A_334, %swap3A_335], %add3A_333 {strides = array<i32>} : memref<128x160xi32, #tpu.memory_space<vmem>>, vector<128x16xi32>,
      %reshape3A_337 = vector.shape_cast %broadcast_in_dim3A_316 : vector<128x1xi32> to vector<1x128x1xi32>
      %eq3A_338 = vector.broadcast %reshape3A_337 : vector<1x128x1xi32> to vector<49x128x128xi32>
      %eq3A_339 = arith.cmpi eq, %add3A, %eq3A_338 : vector<49x128x128xi32>
      %jit3A_340 = arith.constant -3.000000e+38 : f32
      %broadcast_in_dim3A_341 = vector.broadcast %jit3A_340 : f32 to vector<49x128x128xf32>
      %select_n3A_342 = arith.select %eq3A_339, %broadcast_in_dim3A_341, %select_n3A_300 : vector<49x128x128xi1>, vector<49x128x128xf32>
      %reduce_max3A_343 = arith.constant dense<0xFF800000> : vector<128x128xf32>
      %reduce_max3A_344 = vector.multi_reduction <maximumf>, %select_n3A_342, %reduce_max3A_343 [0] : vector<49x128x128xf32> to vector<128x128xf32>
      %reduce_max3A_345 = arith.constant dense<0xFF800000> : vector<128xf32>
      %reduce_max3A_346 = vector.multi_reduction <maximumf>, %reduce_max3A_344, %reduce_max3A_345 [1] : vector<128x128xf32> to vector<128xf32>
      %broadcast_in_dim3A_347 = vector.shape_cast %reduce_max3A_346 : vector<128xf32> to vector<128x1xf32>
      %reshape3A_348 = vector.shape_cast %broadcast_in_dim3A_347 : vector<128x1xf32> to vector<1x128x1xf32>
      %eq3A_349 = vector.broadcast %reshape3A_348 : vector<1x128x1xf32> to vector<49x128x128xf32>
      %eq3A_350 = arith.cmpf oeq, %select_n3A_342, %eq3A_349 : vector<49x128x128xf32>
      %jit3A_351 = arith.constant 1073741824 : i32
      %broadcast_in_dim3A_352 = vector.broadcast %jit3A_351 : i32 to vector<49x128x128xi32>
      %select_n3A_353 = arith.select %eq3A_350, %add3A, %broadcast_in_dim3A_352 : vector<49x128x128xi1>, vector<49x128x128xi32>
      %reduce_min3A_354 = arith.constant dense<2147483647> : vector<128x128xi32>
      %reduce_min3A_355 = vector.multi_reduction <minsi>, %select_n3A_353, %reduce_min3A_354 [0] : vector<49x128x128xi32> to vector<128x128xi32>
      %reduce_min3A_356 = arith.constant dense<2147483647> : vector<128xi32>
      %reduce_min3A_357 = vector.multi_reduction <minsi>, %reduce_min3A_355, %reduce_min3A_356 [1] : vector<128x128xi32> to vector<128xi32>
      %broadcast_in_dim3A_358 = vector.shape_cast %reduce_min3A_357 : vector<128xi32> to vector<128x1xi32>
      %shift_right_logical3A_359 = arith.constant 7 : i32
      %shift_right_logical3A_360 = vector.broadcast %shift_right_logical3A_359 : i32 to vector<128x1xi32>
      %shift_right_logical3A_361 = arith.shrui %broadcast_in_dim3A_358, %shift_right_logical3A_360 : vector<128x1xi32>
      %mul3A_362 = arith.constant 128 : i32
      %mul3A_363 = vector.broadcast %mul3A_362 : i32 to vector<128x1xi32>
      %mul3A_364 = arith.muli %shift_right_logical3A_361, %mul3A_363 : vector<128x1xi32>
      %sub3A_365 = arith.subi %broadcast_in_dim3A_358, %mul3A_364 : vector<128x1xi32>
      %mul3A_366 = arith.constant 2048 : i32
      %mul3A_367 = vector.broadcast %mul3A_366 : i32 to vector<128x1xi32>
      %mul3A_368 = arith.muli %shift_right_logical3A_361, %mul3A_367 : vector<128x1xi32>
      %add3A_369 = arith.addi %mul3A_368, %sub3A_365 : vector<128x1xi32>
      %mul3A_370 = arith.constant 128 : i32
      %mul3A_371 = vector.broadcast %mul3A_370 : i32 to vector<1x16xi32>
      %mul3A_372 = arith.muli %iota3A_15, %mul3A_371 : vector<1x16xi32>
      %add3A_373 = vector.broadcast %add3A_369 : vector<128x1xi32> to vector<128x16xi32>
      %add3A_374 = vector.broadcast %mul3A_372 : vector<1x16xi32> to vector<128x16xi32>
      %add3A_375 = arith.addi %add3A_373, %add3A_374 : vector<128x16xi32>
      %swap3A_376 = arith.constant 0 : index
      %swap3A_377 = arith.constant 128 : index
      %swap3A_378 = vector.load %arg3[%swap3A_376, %swap3A_377] : memref<128x160xi32, #tpu.memory_space<vmem>>, vector<128x16xi32>
      tpu.vector_store %arg3[%swap3A_376, %swap3A_377], %add3A_375 {strides = array<i32>} : memref<128x160xi32, #tpu.memory_space<vmem>>, vector<128x16xi32>,
      %reshape3A_379 = vector.shape_cast %broadcast_in_dim3A_358 : vector<128x1xi32> to vector<1x128x1xi32>
      %eq3A_380 = vector.broadcast %reshape3A_379 : vector<1x128x1xi32> to vector<49x128x128xi32>
      %eq3A_381 = arith.cmpi eq, %add3A, %eq3A_380 : vector<49x128x128xi32>
      %jit3A_382 = arith.constant -3.000000e+38 : f32
      %broadcast_in_dim3A_383 = vector.broadcast %jit3A_382 : f32 to vector<49x128x128xf32>
      %select_n3A_384 = arith.select %eq3A_381, %broadcast_in_dim3A_383, %select_n3A_342 : vector<49x128x128xi1>, vector<49x128x128xf32>
      %reduce_max3A_385 = arith.constant dense<0xFF800000> : vector<128x128xf32>
      %reduce_max3A_386 = vector.multi_reduction <maximumf>, %select_n3A_384, %reduce_max3A_385 [0] : vector<49x128x128xf32> to vector<128x128xf32>
      %reduce_max3A_387 = arith.constant dense<0xFF800000> : vector<128xf32>
      %reduce_max3A_388 = vector.multi_reduction <maximumf>, %reduce_max3A_386, %reduce_max3A_387 [1] : vector<128x128xf32> to vector<128xf32>
      %broadcast_in_dim3A_389 = vector.shape_cast %reduce_max3A_388 : vector<128xf32> to vector<128x1xf32>
      %reshape3A_390 = vector.shape_cast %broadcast_in_dim3A_389 : vector<128x1xf32> to vector<1x128x1xf32>
      %eq3A_391 = vector.broadcast %reshape3A_390 : vector<1x128x1xf32> to vector<49x128x128xf32>
      %eq3A_392 = arith.cmpf oeq, %select_n3A_384, %eq3A_391 : vector<49x128x128xf32>
      %jit3A_393 = arith.constant 1073741824 : i32
      %broadcast_in_dim3A_394 = vector.broadcast %jit3A_393 : i32 to vector<49x128x128xi32>
      %select_n3A_395 = arith.select %eq3A_392, %add3A, %broadcast_in_dim3A_394 : vector<49x128x128xi1>, vector<49x128x128xi32>
      %reduce_min3A_396 = arith.constant dense<2147483647> : vector<128x128xi32>
      %reduce_min3A_397 = vector.multi_reduction <minsi>, %select_n3A_395, %reduce_min3A_396 [0] : vector<49x128x128xi32> to vector<128x128xi32>
      %reduce_min3A_398 = arith.constant dense<2147483647> : vector<128xi32>
      %reduce_min3A_399 = vector.multi_reduction <minsi>, %reduce_min3A_397, %reduce_min3A_398 [1] : vector<128x128xi32> to vector<128xi32>
      %broadcast_in_dim3A_400 = vector.shape_cast %reduce_min3A_399 : vector<128xi32> to vector<128x1xi32>
      %shift_right_logical3A_401 = arith.constant 7 : i32
      %shift_right_logical3A_402 = vector.broadcast %shift_right_logical3A_401 : i32 to vector<128x1xi32>
      %shift_right_logical3A_403 = arith.shrui %broadcast_in_dim3A_400, %shift_right_logical3A_402 : vector<128x1xi32>
      %mul3A_404 = arith.constant 128 : i32
      %mul3A_405 = vector.broadcast %mul3A_404 : i32 to vector<128x1xi32>
      %mul3A_406 = arith.muli %shift_right_logical3A_403, %mul3A_405 : vector<128x1xi32>
      %sub3A_407 = arith.subi %broadcast_in_dim3A_400, %mul3A_406 : vector<128x1xi32>
      %mul3A_408 = arith.constant 2048 : i32
      %mul3A_409 = vector.broadcast %mul3A_408 : i32 to vector<128x1xi32>
      %mul3A_410 = arith.muli %shift_right_logical3A_403, %mul3A_409 : vector<128x1xi32>
      %add3A_411 = arith.addi %mul3A_410, %sub3A_407 : vector<128x1xi32>
      %mul3A_412 = arith.constant 128 : i32
      %mul3A_413 = vector.broadcast %mul3A_412 : i32 to vector<1x16xi32>
      %mul3A_414 = arith.muli %iota3A_15, %mul3A_413 : vector<1x16xi32>
      %add3A_415 = vector.broadcast %add3A_411 : vector<128x1xi32> to vector<128x16xi32>
      %add3A_416 = vector.broadcast %mul3A_414 : vector<1x16xi32> to vector<128x16xi32>
      %add3A_417 = arith.addi %add3A_415, %add3A_416 : vector<128x16xi32>
      %swap3A_418 = arith.constant 0 : index
      %swap3A_419 = arith.constant 144 : index
      %swap3A_420 = vector.load %arg3[%swap3A_418, %swap3A_419] : memref<128x160xi32, #tpu.memory_space<vmem>>, vector<128x16xi32>
      tpu.vector_store %arg3[%swap3A_418, %swap3A_419], %add3A_417 {strides = array<i32>} : memref<128x160xi32, #tpu.memory_space<vmem>>, vector<128x16xi32>,
    } else {
    }
    return
  }
  func.func @transform_0(%arg0: i32) -> (i32, i32) {
    %c0_i32 = arith.constant 0 : i32
    %c0_i32_0 = arith.constant 0 : i32
    %c0_i32_1 = arith.constant 0 : i32
    return %c0_i32, %c0_i32_0 : i32, i32
  }
  func.func @transform_1(%arg0: i32) -> (i32, i32) {
    %min3A = arith.constant 48 : i32
    %min3A_0 = arith.minsi %arg0, %min3A : i32
    %c0_i32 = arith.constant 0 : i32
    %c0_i32_1 = arith.constant 0 : i32
    return %min3A_0, %c0_i32 : i32, i32
  }
  func.func @transform_2(%arg0: i32) -> (i32, i32) {
    %sub3A = arith.constant 49 : i32
    %sub3A_0 = arith.subi %arg0, %sub3A : i32
    %max3A = arith.constant 0 : i32
    %max3A_1 = arith.maxsi %sub3A_0, %max3A : i32
    %c0_i32 = arith.constant 0 : i32
    %c0_i32_2 = arith.constant 0 : i32
    return %max3A_1, %c0_i32 : i32, i32
  }
}

module attributes {stable_mosaic.version = 14 : i64} {
  func.func @_rescore_body(%arg0: i32, %arg1: memref<32x160x128xf32, #tpu.memory_space<vmem>>, %arg2: memref<32x128xf32, #tpu.memory_space<vmem>>, %arg3: memref<32x160xi32, #tpu.memory_space<vmem>>, %arg4: memref<32x16xf32, #tpu.memory_space<vmem>>, %arg5: memref<32x16xi32, #tpu.memory_space<vmem>>) attributes {dimension_semantics = [#tpu.dimension_semantics<arbitrary>], iteration_bounds = array<i64: 32>, scalar_prefetch = 0 : i64, scratch_operands = 0 : i64, tpu.core_type = #tpu.core_type<tc>, window_params = [{transform_indices = @transform_0, window_bounds = array<i64: 32, 160, 128>}, {transform_indices = @transform_1, window_bounds = array<i64: 32, 128>}, {transform_indices = @transform_2, window_bounds = array<i64: 32, 160>}, {transform_indices = @transform_3, window_bounds = array<i64: 32, 16>}, {transform_indices = @transform_4, window_bounds = array<i64: 32, 16>}]} {
    %get3A = arith.constant 0 : index
    %get3A_0 = arith.constant 0 : index
    %get3A_1 = arith.constant 0 : index
    %get3A_2 = vector.load %arg1[%get3A, %get3A_0, %get3A_1] : memref<32x160x128xf32, #tpu.memory_space<vmem>>, vector<32x160x128xf32>
    %broadcast_in_dim3A = arith.constant 0.000000e+00 : f32
    %broadcast_in_dim3A_3 = vector.broadcast %broadcast_in_dim3A : f32 to vector<32x96x128xf32>
    %concatenate3A = tpu.concatenate %get3A_2, %broadcast_in_dim3A_3 in 1 : vector<32x160x128xf32>, vector<32x96x128xf32> -> vector<32x256x128xf32>
    %reshape3A = vector.shape_cast %concatenate3A : vector<32x256x128xf32> to vector<8192x128xf32>
    %get3A_4 = arith.constant 0 : index
    %get3A_5 = arith.constant 0 : index
    %get3A_6 = vector.load %arg2[%get3A_4, %get3A_5] : memref<32x128xf32, #tpu.memory_space<vmem>>, vector<32x128xf32>
    %dot_general3A = arith.constant dense<0.000000e+00> : vector<32x8192xf32>
    %dot_general3A_7 = tpu.matmul %get3A_6, %reshape3A, %dot_general3A {dimension_numbers = #tpu.dot_dimension_numbers<[1], [1], [0], [0], [0, 0, 1, 0], [], []>, transpose_lhs_hint = false} : vector<32x128xf32>, vector<8192x128xf32>, vector<32x8192xf32> -> vector<32x8192xf32>
    %slice3A = vector.extract_strided_slice %dot_general3A_7 {offsets = [0, 0], sizes = [1, 256], strides = [1, 1]} : vector<32x8192xf32> to vector<1x256xf32>
    %slice3A_8 = vector.extract_strided_slice %dot_general3A_7 {offsets = [1, 256], sizes = [1, 256], strides = [1, 1]} : vector<32x8192xf32> to vector<1x256xf32>
    %slice3A_9 = vector.extract_strided_slice %dot_general3A_7 {offsets = [2, 512], sizes = [1, 256], strides = [1, 1]} : vector<32x8192xf32> to vector<1x256xf32>
    %slice3A_10 = vector.extract_strided_slice %dot_general3A_7 {offsets = [3, 768], sizes = [1, 256], strides = [1, 1]} : vector<32x8192xf32> to vector<1x256xf32>
    %slice3A_11 = vector.extract_strided_slice %dot_general3A_7 {offsets = [4, 1024], sizes = [1, 256], strides = [1, 1]} : vector<32x8192xf32> to vector<1x256xf32>
    %slice3A_12 = vector.extract_strided_slice %dot_general3A_7 {offsets = [5, 1280], sizes = [1, 256], strides = [1, 1]} : vector<32x8192xf32> to vector<1x256xf32>
    %slice3A_13 = vector.extract_strided_slice %dot_general3A_7 {offsets = [6, 1536], sizes = [1, 256], strides = [1, 1]} : vector<32x8192xf32> to vector<1x256xf32>
    %slice3A_14 = vector.extract_strided_slice %dot_general3A_7 {offsets = [7, 1792], sizes = [1, 256], strides = [1, 1]} : vector<32x8192xf32> to vector<1x256xf32>
    %slice3A_15 = vector.extract_strided_slice %dot_general3A_7 {offsets = [8, 2048], sizes = [1, 256], strides = [1, 1]} : vector<32x8192xf32> to vector<1x256xf32>
    %slice3A_16 = vector.extract_strided_slice %dot_general3A_7 {offsets = [9, 2304], sizes = [1, 256], strides = [1, 1]} : vector<32x8192xf32> to vector<1x256xf32>
    %slice3A_17 = vector.extract_strided_slice %dot_general3A_7 {offsets = [10, 2560], sizes = [1, 256], strides = [1, 1]} : vector<32x8192xf32> to vector<1x256xf32>
    %slice3A_18 = vector.extract_strided_slice %dot_general3A_7 {offsets = [11, 2816], sizes = [1, 256], strides = [1, 1]} : vector<32x8192xf32> to vector<1x256xf32>
    %slice3A_19 = vector.extract_strided_slice %dot_general3A_7 {offsets = [12, 3072], sizes = [1, 256], strides = [1, 1]} : vector<32x8192xf32> to vector<1x256xf32>
    %slice3A_20 = vector.extract_strided_slice %dot_general3A_7 {offsets = [13, 3328], sizes = [1, 256], strides = [1, 1]} : vector<32x8192xf32> to vector<1x256xf32>
    %slice3A_21 = vector.extract_strided_slice %dot_general3A_7 {offsets = [14, 3584], sizes = [1, 256], strides = [1, 1]} : vector<32x8192xf32> to vector<1x256xf32>
    %slice3A_22 = vector.extract_strided_slice %dot_general3A_7 {offsets = [15, 3840], sizes = [1, 256], strides = [1, 1]} : vector<32x8192xf32> to vector<1x256xf32>
    %slice3A_23 = vector.extract_strided_slice %dot_general3A_7 {offsets = [16, 4096], sizes = [1, 256], strides = [1, 1]} : vector<32x8192xf32> to vector<1x256xf32>
    %slice3A_24 = vector.extract_strided_slice %dot_general3A_7 {offsets = [17, 4352], sizes = [1, 256], strides = [1, 1]} : vector<32x8192xf32> to vector<1x256xf32>
    %slice3A_25 = vector.extract_strided_slice %dot_general3A_7 {offsets = [18, 4608], sizes = [1, 256], strides = [1, 1]} : vector<32x8192xf32> to vector<1x256xf32>
    %slice3A_26 = vector.extract_strided_slice %dot_general3A_7 {offsets = [19, 4864], sizes = [1, 256], strides = [1, 1]} : vector<32x8192xf32> to vector<1x256xf32>
    %slice3A_27 = vector.extract_strided_slice %dot_general3A_7 {offsets = [20, 5120], sizes = [1, 256], strides = [1, 1]} : vector<32x8192xf32> to vector<1x256xf32>
    %slice3A_28 = vector.extract_strided_slice %dot_general3A_7 {offsets = [21, 5376], sizes = [1, 256], strides = [1, 1]} : vector<32x8192xf32> to vector<1x256xf32>
    %slice3A_29 = vector.extract_strided_slice %dot_general3A_7 {offsets = [22, 5632], sizes = [1, 256], strides = [1, 1]} : vector<32x8192xf32> to vector<1x256xf32>
    %slice3A_30 = vector.extract_strided_slice %dot_general3A_7 {offsets = [23, 5888], sizes = [1, 256], strides = [1, 1]} : vector<32x8192xf32> to vector<1x256xf32>
    %slice3A_31 = vector.extract_strided_slice %dot_general3A_7 {offsets = [24, 6144], sizes = [1, 256], strides = [1, 1]} : vector<32x8192xf32> to vector<1x256xf32>
    %slice3A_32 = vector.extract_strided_slice %dot_general3A_7 {offsets = [25, 6400], sizes = [1, 256], strides = [1, 1]} : vector<32x8192xf32> to vector<1x256xf32>
    %slice3A_33 = vector.extract_strided_slice %dot_general3A_7 {offsets = [26, 6656], sizes = [1, 256], strides = [1, 1]} : vector<32x8192xf32> to vector<1x256xf32>
    %slice3A_34 = vector.extract_strided_slice %dot_general3A_7 {offsets = [27, 6912], sizes = [1, 256], strides = [1, 1]} : vector<32x8192xf32> to vector<1x256xf32>
    %slice3A_35 = vector.extract_strided_slice %dot_general3A_7 {offsets = [28, 7168], sizes = [1, 256], strides = [1, 1]} : vector<32x8192xf32> to vector<1x256xf32>
    %slice3A_36 = vector.extract_strided_slice %dot_general3A_7 {offsets = [29, 7424], sizes = [1, 256], strides = [1, 1]} : vector<32x8192xf32> to vector<1x256xf32>
    %slice3A_37 = vector.extract_strided_slice %dot_general3A_7 {offsets = [30, 7680], sizes = [1, 256], strides = [1, 1]} : vector<32x8192xf32> to vector<1x256xf32>
    %slice3A_38 = vector.extract_strided_slice %dot_general3A_7 {offsets = [31, 7936], sizes = [1, 256], strides = [1, 1]} : vector<32x8192xf32> to vector<1x256xf32>
    %concatenate3A_39 = tpu.concatenate %slice3A, %slice3A_8, %slice3A_9, %slice3A_10, %slice3A_11, %slice3A_12, %slice3A_13, %slice3A_14, %slice3A_15, %slice3A_16, %slice3A_17, %slice3A_18, %slice3A_19, %slice3A_20, %slice3A_21, %slice3A_22, %slice3A_23, %slice3A_24, %slice3A_25, %slice3A_26, %slice3A_27, %slice3A_28, %slice3A_29, %slice3A_30, %slice3A_31, %slice3A_32, %slice3A_33, %slice3A_34, %slice3A_35, %slice3A_36, %slice3A_37, %slice3A_38 in 0 : vector<1x256xf32>, vector<1x256xf32>, vector<1x256xf32>, vector<1x256xf32>, vector<1x256xf32>, vector<1x256xf32>, vector<1x256xf32>, vector<1x256xf32>, vector<1x256xf32>, vector<1x256xf32>, vector<1x256xf32>, vector<1x256xf32>, vector<1x256xf32>, vector<1x256xf32>, vector<1x256xf32>, vector<1x256xf32>, vector<1x256xf32>, vector<1x256xf32>, vector<1x256xf32>, vector<1x256xf32>, vector<1x256xf32>, vector<1x256xf32>, vector<1x256xf32>, vector<1x256xf32>, vector<1x256xf32>, vector<1x256xf32>, vector<1x256xf32>, vector<1x256xf32>, vector<1x256xf32>, vector<1x256xf32>, vector<1x256xf32>, vector<1x256xf32> -> vector<32x256xf32>
    %get3A_40 = arith.constant 0 : index
    %get3A_41 = arith.constant 0 : index
    %get3A_42 = vector.load %arg3[%get3A_40, %get3A_41] : memref<32x160xi32, #tpu.memory_space<vmem>>, vector<32x160xi32>
    %broadcast_in_dim3A_43 = arith.constant 1073741824 : i32
    %broadcast_in_dim3A_44 = vector.broadcast %broadcast_in_dim3A_43 : i32 to vector<32x96xi32>
    %concatenate3A_45 = tpu.concatenate %get3A_42, %broadcast_in_dim3A_44 in 1 : vector<32x160xi32>, vector<32x96xi32> -> vector<32x256xi32>
    %lt3A = arith.constant 100000 : i32
    %lt3A_46 = vector.broadcast %lt3A : i32 to vector<32x256xi32>
    %lt3A_47 = arith.cmpi slt, %concatenate3A_45, %lt3A_46 : vector<32x256xi32>
    %jit3A = arith.constant -3.000000e+38 : f32
    %broadcast_in_dim3A_48 = vector.broadcast %jit3A : f32 to vector<32x256xf32>
    %select_n3A = arith.select %lt3A_47, %concatenate3A_39, %broadcast_in_dim3A_48 : vector<32x256xi1>, vector<32x256xf32>
    %iota3A = tpu.iota {dimensions = array<i32: 1>} : vector<32x160xi32>
    %iota3A_49 = tpu.iota {dimensions = array<i32: 1>} : vector<32x256xi32>
    %broadcast_in_dim3A_50 = arith.constant 0.000000e+00 : f32
    %broadcast_in_dim3A_51 = vector.broadcast %broadcast_in_dim3A_50 : f32 to vector<32x16xf32>
    %swap3A = arith.constant 0 : index
    %swap3A_52 = arith.constant 0 : index
    %swap3A_53 = vector.load %arg4[%swap3A, %swap3A_52] : memref<32x16xf32, #tpu.memory_space<vmem>>, vector<32x16xf32>
    tpu.vector_store %arg4[%swap3A, %swap3A_52], %broadcast_in_dim3A_51 {strides = array<i32>} : memref<32x16xf32, #tpu.memory_space<vmem>>, vector<32x16xf32>,
    %broadcast_in_dim3A_54 = arith.constant 0 : i32
    %broadcast_in_dim3A_55 = vector.broadcast %broadcast_in_dim3A_54 : i32 to vector<32x16xi32>
    %swap3A_56 = arith.constant 0 : index
    %swap3A_57 = arith.constant 0 : index
    %swap3A_58 = vector.load %arg5[%swap3A_56, %swap3A_57] : memref<32x16xi32, #tpu.memory_space<vmem>>, vector<32x16xi32>
    tpu.vector_store %arg5[%swap3A_56, %swap3A_57], %broadcast_in_dim3A_55 {strides = array<i32>} : memref<32x16xi32, #tpu.memory_space<vmem>>, vector<32x16xi32>,
    %reduce_max3A = arith.constant dense<0xFF800000> : vector<32xf32>
    %reduce_max3A_59 = vector.multi_reduction <maximumf>, %select_n3A, %reduce_max3A [1] : vector<32x256xf32> to vector<32xf32>
    %broadcast_in_dim3A_60 = vector.shape_cast %reduce_max3A_59 : vector<32xf32> to vector<32x1xf32>
    %eq3A = vector.broadcast %broadcast_in_dim3A_60 : vector<32x1xf32> to vector<32x256xf32>
    %eq3A_61 = arith.cmpf oeq, %select_n3A, %eq3A : vector<32x256xf32>
    %jit3A_62 = arith.constant 1073741824 : i32
    %broadcast_in_dim3A_63 = vector.broadcast %jit3A_62 : i32 to vector<32x256xi32>
    %select_n3A_64 = arith.select %eq3A_61, %iota3A_49, %broadcast_in_dim3A_63 : vector<32x256xi1>, vector<32x256xi32>
    %reduce_min3A = arith.constant dense<2147483647> : vector<32xi32>
    %reduce_min3A_65 = vector.multi_reduction <minsi>, %select_n3A_64, %reduce_min3A [1] : vector<32x256xi32> to vector<32xi32>
    %broadcast_in_dim3A_66 = vector.shape_cast %reduce_min3A_65 : vector<32xi32> to vector<32x1xi32>
    %eq3A_67 = vector.broadcast %broadcast_in_dim3A_66 : vector<32x1xi32> to vector<32x160xi32>
    %eq3A_68 = arith.cmpi eq, %iota3A, %eq3A_67 : vector<32x160xi32>
    %jit3A_69 = arith.constant 0 : i32
    %broadcast_in_dim3A_70 = vector.broadcast %jit3A_69 : i32 to vector<32x160xi32>
    %select_n3A_71 = arith.select %eq3A_68, %get3A_42, %broadcast_in_dim3A_70 : vector<32x160xi1>, vector<32x160xi32>
    %reduce_sum3A = arith.constant dense<0> : vector<32xi32>
    %reduce_sum3A_72 = vector.multi_reduction <add>, %select_n3A_71, %reduce_sum3A [1] : vector<32x160xi32> to vector<32xi32>
    %broadcast_in_dim3A_73 = vector.shape_cast %reduce_sum3A_72 : vector<32xi32> to vector<32x1xi32>
    %swap3A_74 = arith.constant 0 : index
    %swap3A_75 = arith.constant 0 : index
    %swap3A_76 = vector.load %arg4[%swap3A_74, %swap3A_75] : memref<32x16xf32, #tpu.memory_space<vmem>>, vector<32x1xf32>
    tpu.vector_store %arg4[%swap3A_74, %swap3A_75], %broadcast_in_dim3A_60 {strides = array<i32>} : memref<32x16xf32, #tpu.memory_space<vmem>>, vector<32x1xf32>,
    %swap3A_77 = arith.constant 0 : index
    %swap3A_78 = arith.constant 0 : index
    %swap3A_79 = vector.load %arg5[%swap3A_77, %swap3A_78] : memref<32x16xi32, #tpu.memory_space<vmem>>, vector<32x1xi32>
    tpu.vector_store %arg5[%swap3A_77, %swap3A_78], %broadcast_in_dim3A_73 {strides = array<i32>} : memref<32x16xi32, #tpu.memory_space<vmem>>, vector<32x1xi32>,
    %eq3A_80 = vector.broadcast %broadcast_in_dim3A_66 : vector<32x1xi32> to vector<32x256xi32>
    %eq3A_81 = arith.cmpi eq, %iota3A_49, %eq3A_80 : vector<32x256xi32>
    %jit3A_82 = arith.constant -3.000000e+38 : f32
    %broadcast_in_dim3A_83 = vector.broadcast %jit3A_82 : f32 to vector<32x256xf32>
    %select_n3A_84 = arith.select %eq3A_81, %broadcast_in_dim3A_83, %select_n3A : vector<32x256xi1>, vector<32x256xf32>
    %reduce_max3A_85 = arith.constant dense<0xFF800000> : vector<32xf32>
    %reduce_max3A_86 = vector.multi_reduction <maximumf>, %select_n3A_84, %reduce_max3A_85 [1] : vector<32x256xf32> to vector<32xf32>
    %broadcast_in_dim3A_87 = vector.shape_cast %reduce_max3A_86 : vector<32xf32> to vector<32x1xf32>
    %eq3A_88 = vector.broadcast %broadcast_in_dim3A_87 : vector<32x1xf32> to vector<32x256xf32>
    %eq3A_89 = arith.cmpf oeq, %select_n3A_84, %eq3A_88 : vector<32x256xf32>
    %jit3A_90 = arith.constant 1073741824 : i32
    %broadcast_in_dim3A_91 = vector.broadcast %jit3A_90 : i32 to vector<32x256xi32>
    %select_n3A_92 = arith.select %eq3A_89, %iota3A_49, %broadcast_in_dim3A_91 : vector<32x256xi1>, vector<32x256xi32>
    %reduce_min3A_93 = arith.constant dense<2147483647> : vector<32xi32>
    %reduce_min3A_94 = vector.multi_reduction <minsi>, %select_n3A_92, %reduce_min3A_93 [1] : vector<32x256xi32> to vector<32xi32>
    %broadcast_in_dim3A_95 = vector.shape_cast %reduce_min3A_94 : vector<32xi32> to vector<32x1xi32>
    %eq3A_96 = vector.broadcast %broadcast_in_dim3A_95 : vector<32x1xi32> to vector<32x160xi32>
    %eq3A_97 = arith.cmpi eq, %iota3A, %eq3A_96 : vector<32x160xi32>
    %jit3A_98 = arith.constant 0 : i32
    %broadcast_in_dim3A_99 = vector.broadcast %jit3A_98 : i32 to vector<32x160xi32>
    %select_n3A_100 = arith.select %eq3A_97, %get3A_42, %broadcast_in_dim3A_99 : vector<32x160xi1>, vector<32x160xi32>
    %reduce_sum3A_101 = arith.constant dense<0> : vector<32xi32>
    %reduce_sum3A_102 = vector.multi_reduction <add>, %select_n3A_100, %reduce_sum3A_101 [1] : vector<32x160xi32> to vector<32xi32>
    %broadcast_in_dim3A_103 = vector.shape_cast %reduce_sum3A_102 : vector<32xi32> to vector<32x1xi32>
    %swap3A_104 = arith.constant 0 : index
    %swap3A_105 = arith.constant 1 : index
    %swap3A_106 = vector.load %arg4[%swap3A_104, %swap3A_105] : memref<32x16xf32, #tpu.memory_space<vmem>>, vector<32x1xf32>
    tpu.vector_store %arg4[%swap3A_104, %swap3A_105], %broadcast_in_dim3A_87 {strides = array<i32>} : memref<32x16xf32, #tpu.memory_space<vmem>>, vector<32x1xf32>,
    %swap3A_107 = arith.constant 0 : index
    %swap3A_108 = arith.constant 1 : index
    %swap3A_109 = vector.load %arg5[%swap3A_107, %swap3A_108] : memref<32x16xi32, #tpu.memory_space<vmem>>, vector<32x1xi32>
    tpu.vector_store %arg5[%swap3A_107, %swap3A_108], %broadcast_in_dim3A_103 {strides = array<i32>} : memref<32x16xi32, #tpu.memory_space<vmem>>, vector<32x1xi32>,
    %eq3A_110 = vector.broadcast %broadcast_in_dim3A_95 : vector<32x1xi32> to vector<32x256xi32>
    %eq3A_111 = arith.cmpi eq, %iota3A_49, %eq3A_110 : vector<32x256xi32>
    %jit3A_112 = arith.constant -3.000000e+38 : f32
    %broadcast_in_dim3A_113 = vector.broadcast %jit3A_112 : f32 to vector<32x256xf32>
    %select_n3A_114 = arith.select %eq3A_111, %broadcast_in_dim3A_113, %select_n3A_84 : vector<32x256xi1>, vector<32x256xf32>
    %reduce_max3A_115 = arith.constant dense<0xFF800000> : vector<32xf32>
    %reduce_max3A_116 = vector.multi_reduction <maximumf>, %select_n3A_114, %reduce_max3A_115 [1] : vector<32x256xf32> to vector<32xf32>
    %broadcast_in_dim3A_117 = vector.shape_cast %reduce_max3A_116 : vector<32xf32> to vector<32x1xf32>
    %eq3A_118 = vector.broadcast %broadcast_in_dim3A_117 : vector<32x1xf32> to vector<32x256xf32>
    %eq3A_119 = arith.cmpf oeq, %select_n3A_114, %eq3A_118 : vector<32x256xf32>
    %jit3A_120 = arith.constant 1073741824 : i32
    %broadcast_in_dim3A_121 = vector.broadcast %jit3A_120 : i32 to vector<32x256xi32>
    %select_n3A_122 = arith.select %eq3A_119, %iota3A_49, %broadcast_in_dim3A_121 : vector<32x256xi1>, vector<32x256xi32>
    %reduce_min3A_123 = arith.constant dense<2147483647> : vector<32xi32>
    %reduce_min3A_124 = vector.multi_reduction <minsi>, %select_n3A_122, %reduce_min3A_123 [1] : vector<32x256xi32> to vector<32xi32>
    %broadcast_in_dim3A_125 = vector.shape_cast %reduce_min3A_124 : vector<32xi32> to vector<32x1xi32>
    %eq3A_126 = vector.broadcast %broadcast_in_dim3A_125 : vector<32x1xi32> to vector<32x160xi32>
    %eq3A_127 = arith.cmpi eq, %iota3A, %eq3A_126 : vector<32x160xi32>
    %jit3A_128 = arith.constant 0 : i32
    %broadcast_in_dim3A_129 = vector.broadcast %jit3A_128 : i32 to vector<32x160xi32>
    %select_n3A_130 = arith.select %eq3A_127, %get3A_42, %broadcast_in_dim3A_129 : vector<32x160xi1>, vector<32x160xi32>
    %reduce_sum3A_131 = arith.constant dense<0> : vector<32xi32>
    %reduce_sum3A_132 = vector.multi_reduction <add>, %select_n3A_130, %reduce_sum3A_131 [1] : vector<32x160xi32> to vector<32xi32>
    %broadcast_in_dim3A_133 = vector.shape_cast %reduce_sum3A_132 : vector<32xi32> to vector<32x1xi32>
    %swap3A_134 = arith.constant 0 : index
    %swap3A_135 = arith.constant 2 : index
    %swap3A_136 = vector.load %arg4[%swap3A_134, %swap3A_135] : memref<32x16xf32, #tpu.memory_space<vmem>>, vector<32x1xf32>
    tpu.vector_store %arg4[%swap3A_134, %swap3A_135], %broadcast_in_dim3A_117 {strides = array<i32>} : memref<32x16xf32, #tpu.memory_space<vmem>>, vector<32x1xf32>,
    %swap3A_137 = arith.constant 0 : index
    %swap3A_138 = arith.constant 2 : index
    %swap3A_139 = vector.load %arg5[%swap3A_137, %swap3A_138] : memref<32x16xi32, #tpu.memory_space<vmem>>, vector<32x1xi32>
    tpu.vector_store %arg5[%swap3A_137, %swap3A_138], %broadcast_in_dim3A_133 {strides = array<i32>} : memref<32x16xi32, #tpu.memory_space<vmem>>, vector<32x1xi32>,
    %eq3A_140 = vector.broadcast %broadcast_in_dim3A_125 : vector<32x1xi32> to vector<32x256xi32>
    %eq3A_141 = arith.cmpi eq, %iota3A_49, %eq3A_140 : vector<32x256xi32>
    %jit3A_142 = arith.constant -3.000000e+38 : f32
    %broadcast_in_dim3A_143 = vector.broadcast %jit3A_142 : f32 to vector<32x256xf32>
    %select_n3A_144 = arith.select %eq3A_141, %broadcast_in_dim3A_143, %select_n3A_114 : vector<32x256xi1>, vector<32x256xf32>
    %reduce_max3A_145 = arith.constant dense<0xFF800000> : vector<32xf32>
    %reduce_max3A_146 = vector.multi_reduction <maximumf>, %select_n3A_144, %reduce_max3A_145 [1] : vector<32x256xf32> to vector<32xf32>
    %broadcast_in_dim3A_147 = vector.shape_cast %reduce_max3A_146 : vector<32xf32> to vector<32x1xf32>
    %eq3A_148 = vector.broadcast %broadcast_in_dim3A_147 : vector<32x1xf32> to vector<32x256xf32>
    %eq3A_149 = arith.cmpf oeq, %select_n3A_144, %eq3A_148 : vector<32x256xf32>
    %jit3A_150 = arith.constant 1073741824 : i32
    %broadcast_in_dim3A_151 = vector.broadcast %jit3A_150 : i32 to vector<32x256xi32>
    %select_n3A_152 = arith.select %eq3A_149, %iota3A_49, %broadcast_in_dim3A_151 : vector<32x256xi1>, vector<32x256xi32>
    %reduce_min3A_153 = arith.constant dense<2147483647> : vector<32xi32>
    %reduce_min3A_154 = vector.multi_reduction <minsi>, %select_n3A_152, %reduce_min3A_153 [1] : vector<32x256xi32> to vector<32xi32>
    %broadcast_in_dim3A_155 = vector.shape_cast %reduce_min3A_154 : vector<32xi32> to vector<32x1xi32>
    %eq3A_156 = vector.broadcast %broadcast_in_dim3A_155 : vector<32x1xi32> to vector<32x160xi32>
    %eq3A_157 = arith.cmpi eq, %iota3A, %eq3A_156 : vector<32x160xi32>
    %jit3A_158 = arith.constant 0 : i32
    %broadcast_in_dim3A_159 = vector.broadcast %jit3A_158 : i32 to vector<32x160xi32>
    %select_n3A_160 = arith.select %eq3A_157, %get3A_42, %broadcast_in_dim3A_159 : vector<32x160xi1>, vector<32x160xi32>
    %reduce_sum3A_161 = arith.constant dense<0> : vector<32xi32>
    %reduce_sum3A_162 = vector.multi_reduction <add>, %select_n3A_160, %reduce_sum3A_161 [1] : vector<32x160xi32> to vector<32xi32>
    %broadcast_in_dim3A_163 = vector.shape_cast %reduce_sum3A_162 : vector<32xi32> to vector<32x1xi32>
    %swap3A_164 = arith.constant 0 : index
    %swap3A_165 = arith.constant 3 : index
    %swap3A_166 = vector.load %arg4[%swap3A_164, %swap3A_165] : memref<32x16xf32, #tpu.memory_space<vmem>>, vector<32x1xf32>
    tpu.vector_store %arg4[%swap3A_164, %swap3A_165], %broadcast_in_dim3A_147 {strides = array<i32>} : memref<32x16xf32, #tpu.memory_space<vmem>>, vector<32x1xf32>,
    %swap3A_167 = arith.constant 0 : index
    %swap3A_168 = arith.constant 3 : index
    %swap3A_169 = vector.load %arg5[%swap3A_167, %swap3A_168] : memref<32x16xi32, #tpu.memory_space<vmem>>, vector<32x1xi32>
    tpu.vector_store %arg5[%swap3A_167, %swap3A_168], %broadcast_in_dim3A_163 {strides = array<i32>} : memref<32x16xi32, #tpu.memory_space<vmem>>, vector<32x1xi32>,
    %eq3A_170 = vector.broadcast %broadcast_in_dim3A_155 : vector<32x1xi32> to vector<32x256xi32>
    %eq3A_171 = arith.cmpi eq, %iota3A_49, %eq3A_170 : vector<32x256xi32>
    %jit3A_172 = arith.constant -3.000000e+38 : f32
    %broadcast_in_dim3A_173 = vector.broadcast %jit3A_172 : f32 to vector<32x256xf32>
    %select_n3A_174 = arith.select %eq3A_171, %broadcast_in_dim3A_173, %select_n3A_144 : vector<32x256xi1>, vector<32x256xf32>
    %reduce_max3A_175 = arith.constant dense<0xFF800000> : vector<32xf32>
    %reduce_max3A_176 = vector.multi_reduction <maximumf>, %select_n3A_174, %reduce_max3A_175 [1] : vector<32x256xf32> to vector<32xf32>
    %broadcast_in_dim3A_177 = vector.shape_cast %reduce_max3A_176 : vector<32xf32> to vector<32x1xf32>
    %eq3A_178 = vector.broadcast %broadcast_in_dim3A_177 : vector<32x1xf32> to vector<32x256xf32>
    %eq3A_179 = arith.cmpf oeq, %select_n3A_174, %eq3A_178 : vector<32x256xf32>
    %jit3A_180 = arith.constant 1073741824 : i32
    %broadcast_in_dim3A_181 = vector.broadcast %jit3A_180 : i32 to vector<32x256xi32>
    %select_n3A_182 = arith.select %eq3A_179, %iota3A_49, %broadcast_in_dim3A_181 : vector<32x256xi1>, vector<32x256xi32>
    %reduce_min3A_183 = arith.constant dense<2147483647> : vector<32xi32>
    %reduce_min3A_184 = vector.multi_reduction <minsi>, %select_n3A_182, %reduce_min3A_183 [1] : vector<32x256xi32> to vector<32xi32>
    %broadcast_in_dim3A_185 = vector.shape_cast %reduce_min3A_184 : vector<32xi32> to vector<32x1xi32>
    %eq3A_186 = vector.broadcast %broadcast_in_dim3A_185 : vector<32x1xi32> to vector<32x160xi32>
    %eq3A_187 = arith.cmpi eq, %iota3A, %eq3A_186 : vector<32x160xi32>
    %jit3A_188 = arith.constant 0 : i32
    %broadcast_in_dim3A_189 = vector.broadcast %jit3A_188 : i32 to vector<32x160xi32>
    %select_n3A_190 = arith.select %eq3A_187, %get3A_42, %broadcast_in_dim3A_189 : vector<32x160xi1>, vector<32x160xi32>
    %reduce_sum3A_191 = arith.constant dense<0> : vector<32xi32>
    %reduce_sum3A_192 = vector.multi_reduction <add>, %select_n3A_190, %reduce_sum3A_191 [1] : vector<32x160xi32> to vector<32xi32>
    %broadcast_in_dim3A_193 = vector.shape_cast %reduce_sum3A_192 : vector<32xi32> to vector<32x1xi32>
    %swap3A_194 = arith.constant 0 : index
    %swap3A_195 = arith.constant 4 : index
    %swap3A_196 = vector.load %arg4[%swap3A_194, %swap3A_195] : memref<32x16xf32, #tpu.memory_space<vmem>>, vector<32x1xf32>
    tpu.vector_store %arg4[%swap3A_194, %swap3A_195], %broadcast_in_dim3A_177 {strides = array<i32>} : memref<32x16xf32, #tpu.memory_space<vmem>>, vector<32x1xf32>,
    %swap3A_197 = arith.constant 0 : index
    %swap3A_198 = arith.constant 4 : index
    %swap3A_199 = vector.load %arg5[%swap3A_197, %swap3A_198] : memref<32x16xi32, #tpu.memory_space<vmem>>, vector<32x1xi32>
    tpu.vector_store %arg5[%swap3A_197, %swap3A_198], %broadcast_in_dim3A_193 {strides = array<i32>} : memref<32x16xi32, #tpu.memory_space<vmem>>, vector<32x1xi32>,
    %eq3A_200 = vector.broadcast %broadcast_in_dim3A_185 : vector<32x1xi32> to vector<32x256xi32>
    %eq3A_201 = arith.cmpi eq, %iota3A_49, %eq3A_200 : vector<32x256xi32>
    %jit3A_202 = arith.constant -3.000000e+38 : f32
    %broadcast_in_dim3A_203 = vector.broadcast %jit3A_202 : f32 to vector<32x256xf32>
    %select_n3A_204 = arith.select %eq3A_201, %broadcast_in_dim3A_203, %select_n3A_174 : vector<32x256xi1>, vector<32x256xf32>
    %reduce_max3A_205 = arith.constant dense<0xFF800000> : vector<32xf32>
    %reduce_max3A_206 = vector.multi_reduction <maximumf>, %select_n3A_204, %reduce_max3A_205 [1] : vector<32x256xf32> to vector<32xf32>
    %broadcast_in_dim3A_207 = vector.shape_cast %reduce_max3A_206 : vector<32xf32> to vector<32x1xf32>
    %eq3A_208 = vector.broadcast %broadcast_in_dim3A_207 : vector<32x1xf32> to vector<32x256xf32>
    %eq3A_209 = arith.cmpf oeq, %select_n3A_204, %eq3A_208 : vector<32x256xf32>
    %jit3A_210 = arith.constant 1073741824 : i32
    %broadcast_in_dim3A_211 = vector.broadcast %jit3A_210 : i32 to vector<32x256xi32>
    %select_n3A_212 = arith.select %eq3A_209, %iota3A_49, %broadcast_in_dim3A_211 : vector<32x256xi1>, vector<32x256xi32>
    %reduce_min3A_213 = arith.constant dense<2147483647> : vector<32xi32>
    %reduce_min3A_214 = vector.multi_reduction <minsi>, %select_n3A_212, %reduce_min3A_213 [1] : vector<32x256xi32> to vector<32xi32>
    %broadcast_in_dim3A_215 = vector.shape_cast %reduce_min3A_214 : vector<32xi32> to vector<32x1xi32>
    %eq3A_216 = vector.broadcast %broadcast_in_dim3A_215 : vector<32x1xi32> to vector<32x160xi32>
    %eq3A_217 = arith.cmpi eq, %iota3A, %eq3A_216 : vector<32x160xi32>
    %jit3A_218 = arith.constant 0 : i32
    %broadcast_in_dim3A_219 = vector.broadcast %jit3A_218 : i32 to vector<32x160xi32>
    %select_n3A_220 = arith.select %eq3A_217, %get3A_42, %broadcast_in_dim3A_219 : vector<32x160xi1>, vector<32x160xi32>
    %reduce_sum3A_221 = arith.constant dense<0> : vector<32xi32>
    %reduce_sum3A_222 = vector.multi_reduction <add>, %select_n3A_220, %reduce_sum3A_221 [1] : vector<32x160xi32> to vector<32xi32>
    %broadcast_in_dim3A_223 = vector.shape_cast %reduce_sum3A_222 : vector<32xi32> to vector<32x1xi32>
    %swap3A_224 = arith.constant 0 : index
    %swap3A_225 = arith.constant 5 : index
    %swap3A_226 = vector.load %arg4[%swap3A_224, %swap3A_225] : memref<32x16xf32, #tpu.memory_space<vmem>>, vector<32x1xf32>
    tpu.vector_store %arg4[%swap3A_224, %swap3A_225], %broadcast_in_dim3A_207 {strides = array<i32>} : memref<32x16xf32, #tpu.memory_space<vmem>>, vector<32x1xf32>,
    %swap3A_227 = arith.constant 0 : index
    %swap3A_228 = arith.constant 5 : index
    %swap3A_229 = vector.load %arg5[%swap3A_227, %swap3A_228] : memref<32x16xi32, #tpu.memory_space<vmem>>, vector<32x1xi32>
    tpu.vector_store %arg5[%swap3A_227, %swap3A_228], %broadcast_in_dim3A_223 {strides = array<i32>} : memref<32x16xi32, #tpu.memory_space<vmem>>, vector<32x1xi32>,
    %eq3A_230 = vector.broadcast %broadcast_in_dim3A_215 : vector<32x1xi32> to vector<32x256xi32>
    %eq3A_231 = arith.cmpi eq, %iota3A_49, %eq3A_230 : vector<32x256xi32>
    %jit3A_232 = arith.constant -3.000000e+38 : f32
    %broadcast_in_dim3A_233 = vector.broadcast %jit3A_232 : f32 to vector<32x256xf32>
    %select_n3A_234 = arith.select %eq3A_231, %broadcast_in_dim3A_233, %select_n3A_204 : vector<32x256xi1>, vector<32x256xf32>
    %reduce_max3A_235 = arith.constant dense<0xFF800000> : vector<32xf32>
    %reduce_max3A_236 = vector.multi_reduction <maximumf>, %select_n3A_234, %reduce_max3A_235 [1] : vector<32x256xf32> to vector<32xf32>
    %broadcast_in_dim3A_237 = vector.shape_cast %reduce_max3A_236 : vector<32xf32> to vector<32x1xf32>
    %eq3A_238 = vector.broadcast %broadcast_in_dim3A_237 : vector<32x1xf32> to vector<32x256xf32>
    %eq3A_239 = arith.cmpf oeq, %select_n3A_234, %eq3A_238 : vector<32x256xf32>
    %jit3A_240 = arith.constant 1073741824 : i32
    %broadcast_in_dim3A_241 = vector.broadcast %jit3A_240 : i32 to vector<32x256xi32>
    %select_n3A_242 = arith.select %eq3A_239, %iota3A_49, %broadcast_in_dim3A_241 : vector<32x256xi1>, vector<32x256xi32>
    %reduce_min3A_243 = arith.constant dense<2147483647> : vector<32xi32>
    %reduce_min3A_244 = vector.multi_reduction <minsi>, %select_n3A_242, %reduce_min3A_243 [1] : vector<32x256xi32> to vector<32xi32>
    %broadcast_in_dim3A_245 = vector.shape_cast %reduce_min3A_244 : vector<32xi32> to vector<32x1xi32>
    %eq3A_246 = vector.broadcast %broadcast_in_dim3A_245 : vector<32x1xi32> to vector<32x160xi32>
    %eq3A_247 = arith.cmpi eq, %iota3A, %eq3A_246 : vector<32x160xi32>
    %jit3A_248 = arith.constant 0 : i32
    %broadcast_in_dim3A_249 = vector.broadcast %jit3A_248 : i32 to vector<32x160xi32>
    %select_n3A_250 = arith.select %eq3A_247, %get3A_42, %broadcast_in_dim3A_249 : vector<32x160xi1>, vector<32x160xi32>
    %reduce_sum3A_251 = arith.constant dense<0> : vector<32xi32>
    %reduce_sum3A_252 = vector.multi_reduction <add>, %select_n3A_250, %reduce_sum3A_251 [1] : vector<32x160xi32> to vector<32xi32>
    %broadcast_in_dim3A_253 = vector.shape_cast %reduce_sum3A_252 : vector<32xi32> to vector<32x1xi32>
    %swap3A_254 = arith.constant 0 : index
    %swap3A_255 = arith.constant 6 : index
    %swap3A_256 = vector.load %arg4[%swap3A_254, %swap3A_255] : memref<32x16xf32, #tpu.memory_space<vmem>>, vector<32x1xf32>
    tpu.vector_store %arg4[%swap3A_254, %swap3A_255], %broadcast_in_dim3A_237 {strides = array<i32>} : memref<32x16xf32, #tpu.memory_space<vmem>>, vector<32x1xf32>,
    %swap3A_257 = arith.constant 0 : index
    %swap3A_258 = arith.constant 6 : index
    %swap3A_259 = vector.load %arg5[%swap3A_257, %swap3A_258] : memref<32x16xi32, #tpu.memory_space<vmem>>, vector<32x1xi32>
    tpu.vector_store %arg5[%swap3A_257, %swap3A_258], %broadcast_in_dim3A_253 {strides = array<i32>} : memref<32x16xi32, #tpu.memory_space<vmem>>, vector<32x1xi32>,
    %eq3A_260 = vector.broadcast %broadcast_in_dim3A_245 : vector<32x1xi32> to vector<32x256xi32>
    %eq3A_261 = arith.cmpi eq, %iota3A_49, %eq3A_260 : vector<32x256xi32>
    %jit3A_262 = arith.constant -3.000000e+38 : f32
    %broadcast_in_dim3A_263 = vector.broadcast %jit3A_262 : f32 to vector<32x256xf32>
    %select_n3A_264 = arith.select %eq3A_261, %broadcast_in_dim3A_263, %select_n3A_234 : vector<32x256xi1>, vector<32x256xf32>
    %reduce_max3A_265 = arith.constant dense<0xFF800000> : vector<32xf32>
    %reduce_max3A_266 = vector.multi_reduction <maximumf>, %select_n3A_264, %reduce_max3A_265 [1] : vector<32x256xf32> to vector<32xf32>
    %broadcast_in_dim3A_267 = vector.shape_cast %reduce_max3A_266 : vector<32xf32> to vector<32x1xf32>
    %eq3A_268 = vector.broadcast %broadcast_in_dim3A_267 : vector<32x1xf32> to vector<32x256xf32>
    %eq3A_269 = arith.cmpf oeq, %select_n3A_264, %eq3A_268 : vector<32x256xf32>
    %jit3A_270 = arith.constant 1073741824 : i32
    %broadcast_in_dim3A_271 = vector.broadcast %jit3A_270 : i32 to vector<32x256xi32>
    %select_n3A_272 = arith.select %eq3A_269, %iota3A_49, %broadcast_in_dim3A_271 : vector<32x256xi1>, vector<32x256xi32>
    %reduce_min3A_273 = arith.constant dense<2147483647> : vector<32xi32>
    %reduce_min3A_274 = vector.multi_reduction <minsi>, %select_n3A_272, %reduce_min3A_273 [1] : vector<32x256xi32> to vector<32xi32>
    %broadcast_in_dim3A_275 = vector.shape_cast %reduce_min3A_274 : vector<32xi32> to vector<32x1xi32>
    %eq3A_276 = vector.broadcast %broadcast_in_dim3A_275 : vector<32x1xi32> to vector<32x160xi32>
    %eq3A_277 = arith.cmpi eq, %iota3A, %eq3A_276 : vector<32x160xi32>
    %jit3A_278 = arith.constant 0 : i32
    %broadcast_in_dim3A_279 = vector.broadcast %jit3A_278 : i32 to vector<32x160xi32>
    %select_n3A_280 = arith.select %eq3A_277, %get3A_42, %broadcast_in_dim3A_279 : vector<32x160xi1>, vector<32x160xi32>
    %reduce_sum3A_281 = arith.constant dense<0> : vector<32xi32>
    %reduce_sum3A_282 = vector.multi_reduction <add>, %select_n3A_280, %reduce_sum3A_281 [1] : vector<32x160xi32> to vector<32xi32>
    %broadcast_in_dim3A_283 = vector.shape_cast %reduce_sum3A_282 : vector<32xi32> to vector<32x1xi32>
    %swap3A_284 = arith.constant 0 : index
    %swap3A_285 = arith.constant 7 : index
    %swap3A_286 = vector.load %arg4[%swap3A_284, %swap3A_285] : memref<32x16xf32, #tpu.memory_space<vmem>>, vector<32x1xf32>
    tpu.vector_store %arg4[%swap3A_284, %swap3A_285], %broadcast_in_dim3A_267 {strides = array<i32>} : memref<32x16xf32, #tpu.memory_space<vmem>>, vector<32x1xf32>,
    %swap3A_287 = arith.constant 0 : index
    %swap3A_288 = arith.constant 7 : index
    %swap3A_289 = vector.load %arg5[%swap3A_287, %swap3A_288] : memref<32x16xi32, #tpu.memory_space<vmem>>, vector<32x1xi32>
    tpu.vector_store %arg5[%swap3A_287, %swap3A_288], %broadcast_in_dim3A_283 {strides = array<i32>} : memref<32x16xi32, #tpu.memory_space<vmem>>, vector<32x1xi32>,
    %eq3A_290 = vector.broadcast %broadcast_in_dim3A_275 : vector<32x1xi32> to vector<32x256xi32>
    %eq3A_291 = arith.cmpi eq, %iota3A_49, %eq3A_290 : vector<32x256xi32>
    %jit3A_292 = arith.constant -3.000000e+38 : f32
    %broadcast_in_dim3A_293 = vector.broadcast %jit3A_292 : f32 to vector<32x256xf32>
    %select_n3A_294 = arith.select %eq3A_291, %broadcast_in_dim3A_293, %select_n3A_264 : vector<32x256xi1>, vector<32x256xf32>
    %reduce_max3A_295 = arith.constant dense<0xFF800000> : vector<32xf32>
    %reduce_max3A_296 = vector.multi_reduction <maximumf>, %select_n3A_294, %reduce_max3A_295 [1] : vector<32x256xf32> to vector<32xf32>
    %broadcast_in_dim3A_297 = vector.shape_cast %reduce_max3A_296 : vector<32xf32> to vector<32x1xf32>
    %eq3A_298 = vector.broadcast %broadcast_in_dim3A_297 : vector<32x1xf32> to vector<32x256xf32>
    %eq3A_299 = arith.cmpf oeq, %select_n3A_294, %eq3A_298 : vector<32x256xf32>
    %jit3A_300 = arith.constant 1073741824 : i32
    %broadcast_in_dim3A_301 = vector.broadcast %jit3A_300 : i32 to vector<32x256xi32>
    %select_n3A_302 = arith.select %eq3A_299, %iota3A_49, %broadcast_in_dim3A_301 : vector<32x256xi1>, vector<32x256xi32>
    %reduce_min3A_303 = arith.constant dense<2147483647> : vector<32xi32>
    %reduce_min3A_304 = vector.multi_reduction <minsi>, %select_n3A_302, %reduce_min3A_303 [1] : vector<32x256xi32> to vector<32xi32>
    %broadcast_in_dim3A_305 = vector.shape_cast %reduce_min3A_304 : vector<32xi32> to vector<32x1xi32>
    %eq3A_306 = vector.broadcast %broadcast_in_dim3A_305 : vector<32x1xi32> to vector<32x160xi32>
    %eq3A_307 = arith.cmpi eq, %iota3A, %eq3A_306 : vector<32x160xi32>
    %jit3A_308 = arith.constant 0 : i32
    %broadcast_in_dim3A_309 = vector.broadcast %jit3A_308 : i32 to vector<32x160xi32>
    %select_n3A_310 = arith.select %eq3A_307, %get3A_42, %broadcast_in_dim3A_309 : vector<32x160xi1>, vector<32x160xi32>
    %reduce_sum3A_311 = arith.constant dense<0> : vector<32xi32>
    %reduce_sum3A_312 = vector.multi_reduction <add>, %select_n3A_310, %reduce_sum3A_311 [1] : vector<32x160xi32> to vector<32xi32>
    %broadcast_in_dim3A_313 = vector.shape_cast %reduce_sum3A_312 : vector<32xi32> to vector<32x1xi32>
    %swap3A_314 = arith.constant 0 : index
    %swap3A_315 = arith.constant 8 : index
    %swap3A_316 = vector.load %arg4[%swap3A_314, %swap3A_315] : memref<32x16xf32, #tpu.memory_space<vmem>>, vector<32x1xf32>
    tpu.vector_store %arg4[%swap3A_314, %swap3A_315], %broadcast_in_dim3A_297 {strides = array<i32>} : memref<32x16xf32, #tpu.memory_space<vmem>>, vector<32x1xf32>,
    %swap3A_317 = arith.constant 0 : index
    %swap3A_318 = arith.constant 8 : index
    %swap3A_319 = vector.load %arg5[%swap3A_317, %swap3A_318] : memref<32x16xi32, #tpu.memory_space<vmem>>, vector<32x1xi32>
    tpu.vector_store %arg5[%swap3A_317, %swap3A_318], %broadcast_in_dim3A_313 {strides = array<i32>} : memref<32x16xi32, #tpu.memory_space<vmem>>, vector<32x1xi32>,
    %eq3A_320 = vector.broadcast %broadcast_in_dim3A_305 : vector<32x1xi32> to vector<32x256xi32>
    %eq3A_321 = arith.cmpi eq, %iota3A_49, %eq3A_320 : vector<32x256xi32>
    %jit3A_322 = arith.constant -3.000000e+38 : f32
    %broadcast_in_dim3A_323 = vector.broadcast %jit3A_322 : f32 to vector<32x256xf32>
    %select_n3A_324 = arith.select %eq3A_321, %broadcast_in_dim3A_323, %select_n3A_294 : vector<32x256xi1>, vector<32x256xf32>
    %reduce_max3A_325 = arith.constant dense<0xFF800000> : vector<32xf32>
    %reduce_max3A_326 = vector.multi_reduction <maximumf>, %select_n3A_324, %reduce_max3A_325 [1] : vector<32x256xf32> to vector<32xf32>
    %broadcast_in_dim3A_327 = vector.shape_cast %reduce_max3A_326 : vector<32xf32> to vector<32x1xf32>
    %eq3A_328 = vector.broadcast %broadcast_in_dim3A_327 : vector<32x1xf32> to vector<32x256xf32>
    %eq3A_329 = arith.cmpf oeq, %select_n3A_324, %eq3A_328 : vector<32x256xf32>
    %jit3A_330 = arith.constant 1073741824 : i32
    %broadcast_in_dim3A_331 = vector.broadcast %jit3A_330 : i32 to vector<32x256xi32>
    %select_n3A_332 = arith.select %eq3A_329, %iota3A_49, %broadcast_in_dim3A_331 : vector<32x256xi1>, vector<32x256xi32>
    %reduce_min3A_333 = arith.constant dense<2147483647> : vector<32xi32>
    %reduce_min3A_334 = vector.multi_reduction <minsi>, %select_n3A_332, %reduce_min3A_333 [1] : vector<32x256xi32> to vector<32xi32>
    %broadcast_in_dim3A_335 = vector.shape_cast %reduce_min3A_334 : vector<32xi32> to vector<32x1xi32>
    %eq3A_336 = vector.broadcast %broadcast_in_dim3A_335 : vector<32x1xi32> to vector<32x160xi32>
    %eq3A_337 = arith.cmpi eq, %iota3A, %eq3A_336 : vector<32x160xi32>
    %jit3A_338 = arith.constant 0 : i32
    %broadcast_in_dim3A_339 = vector.broadcast %jit3A_338 : i32 to vector<32x160xi32>
    %select_n3A_340 = arith.select %eq3A_337, %get3A_42, %broadcast_in_dim3A_339 : vector<32x160xi1>, vector<32x160xi32>
    %reduce_sum3A_341 = arith.constant dense<0> : vector<32xi32>
    %reduce_sum3A_342 = vector.multi_reduction <add>, %select_n3A_340, %reduce_sum3A_341 [1] : vector<32x160xi32> to vector<32xi32>
    %broadcast_in_dim3A_343 = vector.shape_cast %reduce_sum3A_342 : vector<32xi32> to vector<32x1xi32>
    %swap3A_344 = arith.constant 0 : index
    %swap3A_345 = arith.constant 9 : index
    %swap3A_346 = vector.load %arg4[%swap3A_344, %swap3A_345] : memref<32x16xf32, #tpu.memory_space<vmem>>, vector<32x1xf32>
    tpu.vector_store %arg4[%swap3A_344, %swap3A_345], %broadcast_in_dim3A_327 {strides = array<i32>} : memref<32x16xf32, #tpu.memory_space<vmem>>, vector<32x1xf32>,
    %swap3A_347 = arith.constant 0 : index
    %swap3A_348 = arith.constant 9 : index
    %swap3A_349 = vector.load %arg5[%swap3A_347, %swap3A_348] : memref<32x16xi32, #tpu.memory_space<vmem>>, vector<32x1xi32>
    tpu.vector_store %arg5[%swap3A_347, %swap3A_348], %broadcast_in_dim3A_343 {strides = array<i32>} : memref<32x16xi32, #tpu.memory_space<vmem>>, vector<32x1xi32>,
    return
  }
  func.func @transform_0(%arg0: i32) -> (i32, i32, i32) {
    %c0_i32 = arith.constant 0 : i32
    %c0_i32_0 = arith.constant 0 : i32
    %c0_i32_1 = arith.constant 0 : i32
    return %arg0, %c0_i32, %c0_i32_0 : i32, i32, i32
  }
  func.func @transform_1(%arg0: i32) -> (i32, i32) {
    %c0_i32 = arith.constant 0 : i32
    %c0_i32_0 = arith.constant 0 : i32
    return %arg0, %c0_i32 : i32, i32
  }
  func.func @transform_2(%arg0: i32) -> (i32, i32) {
    %c0_i32 = arith.constant 0 : i32
    %c0_i32_0 = arith.constant 0 : i32
    return %arg0, %c0_i32 : i32, i32
  }
  func.func @transform_3(%arg0: i32) -> (i32, i32) {
    %c0_i32 = arith.constant 0 : i32
    %c0_i32_0 = arith.constant 0 : i32
    return %arg0, %c0_i32 : i32, i32
  }
  func.func @transform_4(%arg0: i32) -> (i32, i32) {
    %c0_i32 = arith.constant 0 : i32
    %c0_i32_0 = arith.constant 0 : i32
    return %arg0, %c0_i32 : i32, i32
  }
}

</mosaic_0001>

<sc_bundles>
// kernel: kernel.5.cloned.1.call-start
scs
__scs_entry_jumppad:
0x0: {  	(pc) =	sbr.rel $0x88, $3  }
0x1: {  	(tag) =	ssettag $0x0;
	lr =	simm.s32 $0x1  }
0x2: {  	[smem:$0x3F9F] =	sst lr;
	_ =	strace $0xD0000000  }
0x3: {  	_ = 	snop  }
0x4: {  	_ = 	snop  }
0x5: {  	_ = 	snop  }
0x6: {  	_ = 	snop  }
0x7: {  	_ = 	snop  }
__scs_overlays_trampoline_lowered:
0x8: {  	[smem:$0x3FAE] =	sst s0  }
0x9: {  	[smem:$0x3FAF] =	sst s1  }
0xa: {  	[smem:$0x3FB0] =	sst s2  }
0xb: {  	[smem:$0x3FB1] =	sst s3  }
0xc: {  	[smem:$0x3FB2] =	sst s4  }
0xd: {  	[smem:$0x3FB3] =	sst s5  }
0xe: {  	[smem:$0x3FB4] =	sst s6  }
0xf: {  	[smem:$0x3FB5] =	sst s7  }
0x10: {  	[smem:$0x3FB6] =	sst s8  }
0x11: {  	[smem:$0x3FB7] =	sst s9;
	s0 =	simm.s32 @!p0 $0x0  }
0x12: {  	s1 =	sld [smem:$0x3F9D];
	s0 =	simm.s32 @p0 $0x1  }
0x13: {  	[smem:$0x3FB8] =	sst s0;
	s0 =	simm.s32 @!p1 $0x0  }
0x14: {  	s2 =	sld [smem:$0x3F9C];
	s0 =	simm.s32 @p1 $0x1  }
0x15: {  	[smem:$0x3FB9] =	sst s0;
	s0 =	simm.s32 @!p2 $0x0  }
0x16: {  	s3 =	sld [smem:$0x3FDB];
	s0 =	simm.s32 @p2 $0x1  }
0x17: {  	s4 =	simm.s32 $0x1BF5;
	[smem:$0x3FBB] =	sst s0  }
0x18: {  	s0 =	sld [smem:$0x3F9E];
	_ =	swait.ge [sflag:s4], $0x0  }
0x19: {  	s7 =	sld [smem:$0x3F9F]  }
0x1a: {  	s8 =	sadd.s32 $0xFFFFE003, lr  }
0x1b: {  	s9 =	sadd.s32 $0xFFFFFEF7, lr;
	s5 =	simm.s32 $0xFFFFFFFF;
	p2 =	slt.u32 s8, $0xFFFFF086  }
0x1c: {  	p1 =	slt.u32 s9, $0xF7A;
	s5 =	simm.s32 @!p2 $0x0  }
0x1d: {  	s5 =	simm.s32 @p1 $0x1;
	p0 =	seq.s32 s7, s2  }
0x1e: {  	s7 =	smul.u32 @!p0 $0xF7A, s2;
	p2 =	seq.s32 @!p0 s5, $0x0  }
0x1f: {  	s9 =	smul.u32 $0xF7A, s1;
	s8 =	simm.s32 @!p0 $0x1BF5;
	p2 =	por !p2, p0  }
0x20: {  	[sflag:s8] =	ssyncset.s32 @!p0 $0xFFFFF086;
	s6 =	sadd.s32 @!p0 s3, s7;
	s7 =	simm.s32 @!p0 $0x108  }
0x21: {  	s3 =	sadd.s32 s3, s9;
	s6 =	sadd.s32 @!p0 $0x88, s6;
	s7 =	simm.s32 @p2 $0x1082  }
0x22: {  	[simem:s7], [sflag:s8] =	dma.local @!p0 [hbm:s6], $0xF7A  }
0x23: {  	s9 =	sor.u32 $0xD0000000, s2;
	s6 =	simm.s32 $0x108;
	_ =	swait.ge @!p0 [sflag:s8], $0x0  }
0x24: {  	s3 =	sadd.s32 $0x88, s3;
	s6 =	simm.s32 @!p1 $0x1082;
	[sflag:s4] =	ssyncset.s32 $0xFFFFF086  }
0x25: {  	[simem:s6], [sflag:s4] =	dma.local [hbm:s3], $0xF7A  }
0x26: {  	[smem:$0x3F9F] =	sst s1;
	(tag) =	ssettag s2;
	_ =	strace s9  }
0x27: {  	s1 =	sld [smem:$0x3FAF]  }
0x28: {  	s2 =	sld [smem:$0x3FB0]  }
0x29: {  	s4 =	sld [smem:$0x3FB2]  }
0x2a: {  	p0 =	seq.s32 s5, $0x0;
	s5 =	sld [smem:$0x3FB3]  }
0x2b: {  	s6 =	sld [smem:$0x3FB4]  }
0x2c: {  	s7 =	sld [smem:$0x3FB5]  }
0x2d: {  	s3 =	simm.s32 $0x108;
	s8 =	sld [smem:$0x3FB6]  }
0x2e: {  	s3 =	simm.s32 @!p0 $0x1082;
	s9 =	sld [smem:$0x3FB7]  }
0x2f: {  	lr =	sadd.s32 s0, s3;
	s0 =	sld [smem:$0x3FAE]  }
0x30: {  	s3 =	sld [smem:$0x3FB1]  }
0x31: {  	[smem:$0x3FBA] =	sst s10  }
0x32: {  	s10 =	sld [smem:$0x3FB8];
	_ =	sdelay $0x3  }
0x33: {  	p0 =	seq.s32 s10, $0x1;
	s10 =	sld [smem:$0x3FBA];
	_ =	sdelay $0x3  }
0x34: {  	[smem:$0x3FBA] =	sst s10  }
0x35: {  	s10 =	sld [smem:$0x3FB9];
	_ =	sdelay $0x3  }
0x36: {  	p1 =	seq.s32 s10, $0x1;
	s10 =	sld [smem:$0x3FBA];
	_ =	sdelay $0x3  }
0x37: {  	[smem:$0x3FBA] =	sst s10  }
0x38: {  	s10 =	sld [smem:$0x3FBB]  }
0x39: {  	_ = 	snop;
	(pc) =	sbr.ind lr, $3  }
0x3a: {  	_ = 	snop  }
0x3b: {  	_ = 	snop  }
0x3c: {  	p2 =	seq.s32 s10, $0x1;
	s10 =	sld [smem:$0x3FBA]  }
0x3d: {  	_ =	shalt  }
0x3e: {  	_ =	shalt  }
0x3f: {  	_ =	shalt  }
0x40: {  	_ =	shalt  }
0x41: {  	_ =	shalt  }
0x42: {  	_ =	shalt  }
0x43: {  	_ =	shalt  }
0x44: {  	_ =	shalt  }
0x45: {  	_ =	shalt  }
0x46: {  	_ =	shalt  }
0x47: {  	_ =	shalt  }
0x48: {  	_ =	shalt  }
0x49: {  	_ =	shalt  }
0x4a: {  	_ =	shalt  }
0x4b: {  	_ =	shalt  }
0x4c: {  	_ =	shalt  }
0x4d: {  	_ =	shalt  }
0x4e: {  	_ =	shalt  }
0x4f: {  	_ =	shalt  }
0x50: {  	_ =	shalt  }
0x51: {  	_ =	shalt  }
0x52: {  	_ =	shalt  }
0x53: {  	_ =	shalt  }
0x54: {  	_ =	shalt  }
0x55: {  	_ =	shalt  }
0x56: {  	_ =	shalt  }
0x57: {  	_ =	shalt  }
0x58: {  	_ =	shalt  }
0x59: {  	_ =	shalt  }
0x5a: {  	_ =	shalt  }
0x5b: {  	_ =	shalt  }
0x5c: {  	_ =	shalt  }
0x5d: {  	_ =	shalt  }
0x5e: {  	_ =	shalt  }
0x5f: {  	_ =	shalt  }
0x60: {  	_ =	shalt  }
0x61: {  	_ =	shalt  }
0x62: {  	_ =	shalt  }
0x63: {  	_ =	shalt  }
0x64: {  	_ =	shalt  }
0x65: {  	_ =	shalt  }
0x66: {  	_ =	shalt  }
0x67: {  	_ =	shalt  }
0x68: {  	_ =	shalt  }
0x69: {  	_ =	shalt  }
0x6a: {  	_ =	shalt  }
0x6b: {  	_ =	shalt  }
0x6c: {  	_ =	shalt  }
0x6d: {  	_ =	shalt  }
0x6e: {  	_ =	shalt  }
0x6f: {  	_ =	shalt  }
0x70: {  	_ =	shalt  }
0x71: {  	_ =	shalt  }
0x72: {  	_ =	shalt  }
0x73: {  	_ =	shalt  }
0x74: {  	_ =	shalt  }
0x75: {  	_ =	shalt  }
0x76: {  	_ =	shalt  }
0x77: {  	_ =	shalt  }
0x78: {  	_ =	shalt  }
0x79: {  	_ =	shalt  }
0x7a: {  	_ =	shalt  }
0x7b: {  	_ =	shalt  }
0x7c: {  	_ =	shalt  }
0x7d: {  	_ =	shalt  }
0x7e: {  	_ =	shalt  }
0x7f: {  	_ =	shalt  }
0x80: {  	_ =	shalt  }
0x81: {  	_ =	shalt  }
0x82: {  	_ =	shalt  }
0x83: {  	_ =	shalt  }
0x84: {  	_ =	shalt  }
0x85: {  	_ =	shalt  }
0x86: {  	_ =	shalt  }
0x87: {  	_ =	shalt  }
.Lfunc_end0:
.L_simem_size_0:
called_computation_lowered:
.L_overlay_start_0:
0x88: {  	s2 =	sld [smem:$0x3FD9]  }
0x89: {  	s3 =	sld [smem:$0x3FFE];
	_ =	sdelay $0x1  }
0x8a: {  	s1 =	srdreg.scid  }
0x8b: {  	s0 =	sand.u32 $0x1, s1  }
0x8c: {  	s16 =	sshll.u32 s0, $0xA;
	s2 =	sadd.s32 s3, s2  }
0x8d: {  	s2 =	sadd.s32 s2, s16  }
0x8e: {  	[smem:$0x3FC6] =	sst s2  }
0x8f: {  	_ = 	snop  }
0x90: {  	(tm) =	ssettm $0x1  }
0x91: {  	s17 =	sld [smem:$0x3FFB];
	_ =	sdelay $0x3  }
0x92: {  	_ =	strace s17  }
0x93: {  	s2 =	sld [smem:$0x3FFC];
	_ =	sdelay $0x3  }
0x94: {  	_ =	strace s2  }
0x95: {  	s2 =	sld [smem:$0x3FFD];
	_ =	sdelay $0x3  }
0x96: {  	_ =	strace s2  }
0x97: {  	_ =	strace $0x8FFFFFFF  }
0x98: {  	s18 =	sld [smem:$0x3FDB];
	_ =	sdelay $0x1  }
0x99: {  	s19 =	simm.s32 $_scs_section_size  }
0x9a: {  	s4 =	simm.s32 $_size__tile_overlayer_lowered;
	s5 =	simm.s32 $_tile_overlayer_lowered  }
0x9b: {  	s22 =	simm.s32 $0x1BFF;
	s21 =	sshll.u32 s5, $0x1;
	s2 =	sadd.s32 s19, s18  }
0x9c: {  	s6 =	simm.s32 $0x0;
	s20 =	sshll.u32 s4, $0x1;
	s4 =	sadd.s32 s21, s2  }
0x9d: {  	[timem:s6], [sflag:s22] =	dma.local [hbm:s4], s20  }
0x9e: {  	_ =	swait.ge [sflag:s22], s20  }
0x9f: {  	s3 =	ssub.s32 $0x0, s20;
	[sflag:s22] =	ssyncset.done $0x0  }
0xa0: {  	[sflag:s22] =	ssyncadd.s32 s3;
	_ =	sdelay $0x1  }
0xa1: {  	s23 =	simm.s32 $0x1B8B  }
0xa2: {  	_ =	swait.ge [sflag:s23], $0x1  }
0xa3: {  	[sflag:s23] =	ssyncset.done $0x0  }
0xa4: {  	s25 =	simm.s32 $0x1B8E;
	s24 =	sld [smem:$0x3FFE];
	[sflag:s23] =	ssyncadd.s32 $0xFFFFFFFF  }
0xa5: {  	s26 =	simm.s32 $execute0_lowered;
	[smem:$0x3FD2] =	sst s25  }
0xa6: {  	s4 =	sshll.u32 s26, $0x1;
	_ =	strace $0x80000046;
	[dreg:$0x1] =	wrdreg $0xFFFFFFFF  }
0xa7: {  	s28 =	simm.s32 $_size_execute0_lowered;
	s2 =	sadd.s32 s2, s4;
	[dreg:$0x0] =	wrdreg $0x0  }
0xa8: {  	s4 =	sshll.u32 s28, $0x1;
	[dreg:$0x2] =	wrdreg s2  }
0xa9: {  	[dreg:$0x3] =	wrdreg s4  }
0xaa: {  	[dreg:$0x4] =	wrdreg $0xC0  }
0xab: {  	_ =	task [dreg:s6], $0x5FFFF  }
0xac: {  	[dreg:$0x1] =	wrdreg $0xFFFFFFFF  }
0xad: {  	[dreg:$0x0] =	wrdreg $0x60  }
0xae: {  	[dreg:$0x2] =	wrdreg s24  }
0xaf: {  	[dreg:$0x3] =	wrdreg $0x9  }
0xb0: {  	_ =	task.clear_ibuf [dreg:s6], $0x4FFFF;
	_ =	strace $0x90000046  }
0xb1: {  	s29 =	simm.s32 $0x9;
	_ =	strace $0x80000048  }
0xb2: {  	_ =	swait.ge [sflag:s29], $0x1  }
0xb3: {  	[sflag:s29] =	ssyncadd.s32 $0xFFFFFFFF  }
0xb4: {  	_ =	strace $0x90000048  }
0xb5: {  	_ =	sfence  }
0xb6: {  	s30 =	sld [smem:$0x0];
	_ =	sdelay $0x2  }
0xb7: {  	s31 =	sshll.u32 s1, $0xD;
	s1 =	sshrl.u32 s1, $0x2  }
0xb8: {  	s3 =	sand.u32 $0x4000, s31;
	s1 =	sadd.s32 s1, s30  }
0xb9: {  	s0 =	sor.u32 s3, s0;
	s1 =	sshll.u32 s1, $0x11  }
0xba: {  	s0 =	sor.u32 s1, s0  }
0xbb: {  	s0 =	sadd.s32 $0x8F2B, s0  }
0xbc: {  	[sflag:s0] =	ssyncadd.remote.s32 $0x1  }
0xbd: {  	_ =	sfence.sel $0xFFFF  }
0xbe: {  	[dreg:$0x0] =	wrdreg $0xFFFFFFFF;
	(pc) =	sbr.abs _section_cstart, $3  }
0xbf: {  	[dreg:$0x1] =	wrdreg $0xFFFFFFFF  }
0xc0: {  	_ =	task.clear_ibuf [dreg:s6], $0x2FFFF;
	_ =	strace $0x9FFFFFFF  }
0xc1: {  	(tm) =	ssettm $0x7FFFFFFF  }
tec
execute0_lowered:
.L_overlay_start_1:
0x0: {  	(tag) =	ssettag $0x1  }
0x1: {  	s0 =	srdreg.scid  }
0x2: {  	s7 =	stileid.u32;
	s2 =	rddreg [dreg:$0x0]  }
0x3: {  	s3 =	simm.s32 $0x0;
	s12 =	simm.s32 $0x3;
	s13 =	simm.s32 $0x50  }
0x4: {  	s14 =	simm.s32 $0x1400;
	s17 =	simm.s32 $0x6400;
	s20 =	simm.s32 $0x1  }
0x5: {  	s22 =	simm.s32 $0xB400;
	s25 =	simm.s32 $0x1E0;
	s28 =	simm.s32 $0x230  }
0x6: {  	s29 =	simm.s32 $0x12C00;
	s30 =	simm.s32 $0x2;
	s8 =	smul.u32 $0x140000, s7  }
0x7: {  	s31 =	simm.s32 $0x0;
	s0 =	sand.u32 $0x1, s0;
	s26 =	smul.u32 $0x28000, s7  }
0x8: {  	s1 =	sshll.u32 s7, $0x1;
	[smem:$0x7FF] =	sst s3;
	s9 =	smul.u32 $0xA0000, s0  }
0x9: {  	s1 =	sor.u32 s0, s1;
	s5 =	ssub.s32 $0x2, s0;
	s0 =	smul.u32 $0x14000, s0  }
0xa: {  	s10 =	sadd.s32 $0x18BA00, s2;
	s4 =	smul.u32 $0x280, s1;
	s6 =	sshrl.u32 s5, $0x1  }
0xb: {  	_ =	strace $0x80000047;
	s1 =	smul.u32 $0x14000, s1;
	s5 =	ssub.s32 s5, s6  }
0xc: {  	s9 =	sadd.s32 s9, s8;
	s4 =	sadd.s32 s4, s2;
	s5 =	smax.u32 s5, $0x1  }
0xd: {  	s6 =	sadd.s32 s10, s1;
	s11 =	sor.u32 $0x19000, s9;
	s1 =	sadd.s32 s26, s10  }
0xe: {  	s26 =	simm.s32 $0x10400;
	s4 =	sadd.s32 $0x186A00, s4;
	s7 =	sadd.s32 $0xA00, s6  }
0xf: {  	s8 =	sadd.s32 $0x1400, s6;
	s11 =	sshrl.u32 s11, $0x3;
	s0 =	sadd.s32 s0, s1  }
0x10: {  	s9 =	sadd.s32 $0x1E00, s6;
	s18 =	sadd.s32 s11, s10;
	s11 =	sadd.s32 $0x2800, s0  }
.LBB2_1:
0x11: {  	[tilespmem:s3], [sflag:$0x3] =	stream.linear.gather [hbm4b:s4+s3], $0x1400, $0x38;
	[tilespmem:$0x15400] =	vst v63  }
0x12: {  	_ =	swait.ge [sflag:s12], $0x1400  }
0x13: {  	[sflag:s12] =	ssyncset.done $0x0  }
0x14: {  	[sflag:s12] =	ssyncadd.s32 $0xFFFFEC00  }
0x15: {  	[tilespmem:s14], [sflag:$0x1] =	stream.indirect.gather [hbm4b:s2+s13], $0x80, s3, s13, $0xb8;
	[tilespmem:$0x15400] =	vst v63  }
0x16: {  	s0 =	simm.s32 $0x3C00  }
0x17: {  	[tilespmem:s0], [sflag:$0x1] =	stream.indirect.gather [hbm4b:s2+s13], $0x80, s13, s13, $0xb8;
	[tilespmem:$0x15400] =	vst v63  }
0x18: {  	s23 =	simm.s32 $0xA0  }
0x19: {  	[tilespmem:s17], [sflag:$0x1] =	stream.indirect.gather [hbm4b:s2+s13], $0x80, s23, s13, $0xb8;
	[tilespmem:$0x15400] =	vst v63  }
0x1a: {  	s24 =	simm.s32 $0xF0;
	s1 =	simm.s32 $0x8C00  }
0x1b: {  	[tilespmem:s1], [sflag:$0x1] =	stream.indirect.gather [hbm4b:s2+s13], $0x80, s24, s13, $0xb8;
	[tilespmem:$0x15400] =	vst v63  }
0x1c: {  	_ =	swait.ge [sflag:s20], $0x2800  }
0x1d: {  	[sflag:s20] =	ssyncset.done $0x0  }
0x1e: {  	[sflag:s20] =	ssyncadd.s32 $0xFFFFD800  }
0x1f: {  	_ =	swait.ge [sflag:s20], $0x2800  }
0x20: {  	[sflag:s20] =	ssyncset.done $0x0  }
0x21: {  	[sflag:s20] =	ssyncadd.s32 $0xFFFFD800  }
0x22: {  	_ =	swait.ge [sflag:s20], $0x2800  }
0x23: {  	[sflag:s20] =	ssyncset.done $0x0  }
0x24: {  	[sflag:s20] =	ssyncadd.s32 $0xFFFFD800  }
0x25: {  	_ =	swait.ge [sflag:s20], $0x2800  }
0x26: {  	[sflag:s20] =	ssyncset.done $0x0  }
0x27: {  	[sflag:s20] =	ssyncadd.s32 $0xFFFFD800  }
0x28: {  	[hbm4b:s6+s3] =	stream.linear.scatter [tilespmem:s14], [sflag:$0x2], $0x5000, $0x38;
	[tilespmem:$0x15400] =	vst v63  }
0x29: {  	_ = 	snop  }
0x2a: {  	[hbm4b:s7+s3] =	stream.linear.scatter [tilespmem:s17], [sflag:$0x2], $0x5000, $0x38;
	[tilespmem:$0x15400] =	vst v63  }
0x2b: {  	s10 =	simm.s32 $0x140  }
0x2c: {  	[tilespmem:s22], [sflag:$0x1] =	stream.indirect.gather [hbm4b:s2+s13], $0x80, s10, s13, $0xb8;
	[tilespmem:$0x15400] =	vst v63  }
0x2d: {  	s15 =	simm.s32 $0x190;
	s16 =	simm.s32 $0xDC00  }
0x2e: {  	[tilespmem:s16], [sflag:$0x1] =	stream.indirect.gather [hbm4b:s2+s13], $0x80, s15, s13, $0xb8;
	[tilespmem:$0x15400] =	vst v63  }
0x2f: {  	_ = 	snop  }
0x30: {  	[tilespmem:s26], [sflag:$0x1] =	stream.indirect.gather [hbm4b:s2+s13], $0x80, s25, s13, $0xb8;
	[tilespmem:$0x15400] =	vst v63  }
0x31: {  	_ = 	snop  }
0x32: {  	[tilespmem:s29], [sflag:$0x1] =	stream.indirect.gather [hbm4b:s2+s13], $0x80, s28, s13, $0xb8;
	[tilespmem:$0x15400] =	vst v63  }
0x33: {  	_ =	swait.ge [sflag:s20], $0x2800  }
0x34: {  	[sflag:s20] =	ssyncset.done $0x0  }
0x35: {  	[sflag:s20] =	ssyncadd.s32 $0xFFFFD800  }
0x36: {  	_ =	swait.ge [sflag:s20], $0x2800  }
0x37: {  	[sflag:s20] =	ssyncset.done $0x0  }
0x38: {  	[sflag:s20] =	ssyncadd.s32 $0xFFFFD800  }
0x39: {  	_ =	swait.ge [sflag:s20], $0x2800  }
0x3a: {  	[sflag:s20] =	ssyncset.done $0x0  }
0x3b: {  	[sflag:s20] =	ssyncadd.s32 $0xFFFFD800  }
0x3c: {  	_ =	swait.ge [sflag:s20], $0x2800  }
0x3d: {  	[sflag:s20] =	ssyncset.done $0x0  }
0x3e: {  	[sflag:s20] =	ssyncadd.s32 $0xFFFFD800  }
0x3f: {  	[hbm4b:s8+s3] =	stream.linear.scatter [tilespmem:s22], [sflag:$0x2], $0x5000, $0x38;
	[tilespmem:$0x15400] =	vst v63  }
0x40: {  	_ = 	snop  }
0x41: {  	[hbm4b:s9+s3] =	stream.linear.scatter [tilespmem:s26], [sflag:$0x2], $0x5000, $0x38;
	[tilespmem:$0x15400] =	vst v63  }
0x42: {  	_ =	swait.ge [sflag:s30], $0x5000  }
0x43: {  	[sflag:s30] =	ssyncset.done $0x0  }
0x44: {  	[sflag:s30] =	ssyncadd.s32 $0xFFFFB000  }
0x45: {  	s19 =	sand.u32 $0x1, s30;
	s21 =	simm.s32 $0x280;
	_ =	swait.ge [sflag:s30], $0x5000  }
0x46: {  	p0 =	seq.s32 s19, $0x1;
	s0 =	simm.s32 $0xB400;
	[sflag:s30] =	ssyncset.done $0x0  }
0x47: {  	s0 =	simm.s32 @!p0 $0x1400;
	s1 =	simm.s32 $0xDC00;
	[sflag:s30] =	ssyncadd.s32 $0xFFFFB000  }
0x48: {  	[tilespmem:s0], [sflag:$0x1] =	stream.indirect.gather [hbm4b:s2+s13], $0x80, s21, s13, $0xb8;
	[tilespmem:$0x15400] =	vst v63  }
0x49: {  	s19 =	simm.s32 $0x10400;
	s1 =	simm.s32 @!p0 $0x3C00;
	s10 =	simm.s32 $0x2D0  }
0x4a: {  	[tilespmem:s1], [sflag:$0x1] =	stream.indirect.gather [hbm4b:s2+s13], $0x80, s10, s13, $0xb8;
	[tilespmem:$0x15400] =	vst v63  }
0x4b: {  	s19 =	simm.s32 @!p0 $0x6400;
	s23 =	simm.s32 $0x320;
	s1 =	simm.s32 $0x12C00  }
0x4c: {  	[tilespmem:s19], [sflag:$0x1] =	stream.indirect.gather [hbm4b:s2+s13], $0x80, s23, s13, $0xb8;
	[tilespmem:$0x15400] =	vst v63  }
0x4d: {  	s24 =	simm.s32 $0x370;
	s1 =	simm.s32 @!p0 $0x8C00  }
0x4e: {  	[tilespmem:s1], [sflag:$0x1] =	stream.indirect.gather [hbm4b:s2+s13], $0x80, s24, s13, $0xb8;
	[tilespmem:$0x15400] =	vst v63  }
0x4f: {  	_ =	swait.ge [sflag:s20], $0x2800  }
0x50: {  	[sflag:s20] =	ssyncset.done $0x0  }
0x51: {  	[sflag:s20] =	ssyncadd.s32 $0xFFFFD800  }
0x52: {  	_ =	swait.ge [sflag:s20], $0x2800  }
0x53: {  	[sflag:s20] =	ssyncset.done $0x0  }
0x54: {  	[sflag:s20] =	ssyncadd.s32 $0xFFFFD800  }
0x55: {  	_ =	swait.ge [sflag:s20], $0x2800  }
0x56: {  	[sflag:s20] =	ssyncset.done $0x0  }
0x57: {  	[sflag:s20] =	ssyncadd.s32 $0xFFFFD800  }
0x58: {  	_ =	swait.ge [sflag:s20], $0x2800  }
0x59: {  	[sflag:s20] =	ssyncset.done $0x0  }
0x5a: {  	s15 =	sadd.s32 $0x1400, s18;
	s16 =	sadd.s32 $0x1400, s11;
	[sflag:s20] =	ssyncadd.s32 $0xFFFFD800  }
0x5b: {  	[hbm4b:s11+s3] =	stream.linear.scatter [tilespmem:s0], [sflag:$0x2], $0x5000, $0x38;
	[tilespmem:$0x15400] =	vst v63  }
0x5c: {  	s10 =	smov.u32 s18;
	s1 =	simm.s32 $0x500;
	s0 =	simm.s32 $0x3  }
.LBB2_2:
0x5d: {  	[hbm4b:s10+s3] =	stream.linear.scatter [tilespmem:s19], [sflag:$0x2], $0x5000, $0x38;
	[tilespmem:$0x15400] =	vst v63  }
0x5e: {  	s19 =	smov.u32 s1;
	s10 =	smov.u32 s15  }
0x5f: {  	p0 =	sne.s32 s1, $0x4100;
	s1 =	sadd.s32 $0x500, s1;
	_ =	swait.ge [sflag:s30], $0x5000  }
0x60: {  	[sflag:s30] =	ssyncset.done $0x0  }
0x61: {  	[sflag:s30] =	ssyncadd.s32 $0xFFFFB000  }
0x62: {  	s21 =	sand.u32 $0x1, s0;
	s23 =	simm.s32 $0xB400;
	_ =	swait.ge [sflag:s30], $0x5000  }
0x63: {  	p1 =	seq.s32 s21, $0x1;
	s21 =	sshra.s32 s19, $0x2;
	[sflag:s30] =	ssyncset.done $0x0  }
0x64: {  	s23 =	simm.s32 @!p1 $0x1400;
	s19 =	sadd.s32 $0x280, s21;
	[sflag:s30] =	ssyncadd.s32 $0xFFFFB000  }
0x65: {  	[tilespmem:s23], [sflag:$0x1] =	stream.indirect.gather [hbm4b:s2+s13], $0x80, s19, s13, $0xb8;
	[tilespmem:$0x15400] =	vst v63  }
0x66: {  	s19 =	simm.s32 $0xDC00  }
0x67: {  	s24 =	sadd.s32 $0x2D0, s21;
	s19 =	simm.s32 @!p1 $0x3C00  }
0x68: {  	[tilespmem:s19], [sflag:$0x1] =	stream.indirect.gather [hbm4b:s2+s13], $0x80, s24, s13, $0xb8;
	[tilespmem:$0x15400] =	vst v63  }
0x69: {  	s19 =	simm.s32 $0x10400  }
0x6a: {  	s24 =	sadd.s32 $0x320, s21;
	s19 =	simm.s32 @!p1 $0x6400  }
0x6b: {  	[tilespmem:s19], [sflag:$0x1] =	stream.indirect.gather [hbm4b:s2+s13], $0x80, s24, s13, $0xb8;
	[tilespmem:$0x15400] =	vst v63  }
0x6c: {  	s24 =	simm.s32 $0x12C00  }
0x6d: {  	s21 =	sadd.s32 $0x370, s21;
	s24 =	simm.s32 @!p1 $0x8C00  }
0x6e: {  	[tilespmem:s24], [sflag:$0x1] =	stream.indirect.gather [hbm4b:s2+s13], $0x80, s21, s13, $0xb8;
	[tilespmem:$0x15400] =	vst v63  }
0x6f: {  	_ =	swait.ge [sflag:s20], $0x2800  }
0x70: {  	[sflag:s20] =	ssyncset.done $0x0  }
0x71: {  	[sflag:s20] =	ssyncadd.s32 $0xFFFFD800  }
0x72: {  	_ =	swait.ge [sflag:s20], $0x2800  }
0x73: {  	[sflag:s20] =	ssyncset.done $0x0  }
0x74: {  	[sflag:s20] =	ssyncadd.s32 $0xFFFFD800  }
0x75: {  	_ =	swait.ge [sflag:s20], $0x2800  }
0x76: {  	[sflag:s20] =	ssyncset.done $0x0  }
0x77: {  	[sflag:s20] =	ssyncadd.s32 $0xFFFFD800  }
.Ltmp0:
0x78: {  	_ =	swait.ge [sflag:s20], $0x2800;
	(pc) =	sbr.rel @p0 .LBB2_2-.Ltmp0, $4  }
0x79: {  	[sflag:s20] =	ssyncset.done $0x0  }
0x7a: {  	[sflag:s20] =	ssyncadd.s32 $0xFFFFD800  }
0x7b: {  	[hbm4b:s16+s3] =	stream.linear.scatter [tilespmem:s23], [sflag:$0x2], $0x5000, $0x38;
	[tilespmem:$0x15400] =	vst v63  }
0x7c: {  	s0 =	sadd.s32 $0x1, s0;
	s15 =	sadd.s32 $0x1400, s15;
	s16 =	sadd.s32 $0x1400, s16  }
0x7d: {  	[hbm4b:s10+s3] =	stream.linear.scatter [tilespmem:s19], [sflag:$0x2], $0x5000, $0x38;
	[tilespmem:$0x15400] =	vst v63  }
0x7e: {  	_ =	swait.ge [sflag:s30], $0x5000  }
0x7f: {  	[sflag:s30] =	ssyncset.done $0x0  }
0x80: {  	[sflag:s30] =	ssyncadd.s32 $0xFFFFB000  }
0x81: {  	_ =	swait.ge [sflag:s30], $0x5000  }
0x82: {  	[sflag:s30] =	ssyncset.done $0x0  }
0x83: {  	s31 =	sadd.s32 $0x1, s31;
	[sflag:s30] =	ssyncadd.s32 $0xFFFFB000  }
0x84: {  	p0 =	sne.s32 s31, s5;
	_ =	swait.ge [sflag:s30], $0x5000  }
.Ltmp1:
0x85: {  	[sflag:s30] =	ssyncset.done $0x0;
	(pc) =	sbr.rel @p0 .LBB2_1-.Ltmp1, $4  }
0x86: {  	[sflag:s30] =	ssyncadd.s32 $0xFFFFB000  }
0x87: {  	_ =	swait.ge [sflag:s30], $0x5000  }
0x88: {  	[sflag:s30] =	ssyncset.done $0x0  }
0x89: {  	[sflag:s30] =	ssyncadd.s32 $0xFFFFB000  }
0x8a: {  	_ =	sfence.sel $0x180000  }
0x8b: {  	[bflag:$0x0] =	sbarrier.arrive $0xFFFF  }
0x8c: {  	_ =	strace $0x90000047  }
0x8d: {  	s0 =	stileid.u32;
	[bflag:$0x2] =	sbarrier.arrive $0xFFFF  }
0x8e: {  	p0 =	sne.s32 s0, $0x0;
	s0 =	rddreg [dreg:$0x1]  }
0x8f: {  	s0 =	sadd.s32 @!p0 $0x100000, s0  }
0x90: {  	[sflag:s0] =	ssyncadd.tile.s32 @!p0 $0x1;
	_ =	shalt  }
.Lfunc_end2:
_tile_overlayer_lowered:
.L_overlay_start_2:
0x91: {  	(tag) =	ssettag $0x2  }
0x92: {  	s0 =	rddreg [dreg:$0x0];
	s2 =	stileid.u32  }
0x93: {  	s1 =	rddreg [dreg:$0x1];
	p0 =	sne.s32 s2, $0x0  }
0x94: {  	s3 =	rddreg [dreg:$0x2];
	[bflag:$0x3] =	sbarrier.arrive $0xFFFF;
	s2 =	simm.s32 @!p0 $0x1C03  }
0x95: {  	[timem:s3], [sflag:s2] =	dma.local @!p0 [hbm:s0], s1  }
0x96: {  	s0 =	simm.s32 @!p0 $0x3  }
0x97: {  	_ =	swait.ge @!p0 [sflag:s0], s1  }
0x98: {  	s1 =	ssub.s32 @!p0 $0x0, s1;
	[sflag:s0] =	ssyncset.done @!p0 $0x0  }
0x99: {  	[sflag:s0] =	ssyncadd.s32 @!p0 s1  }
0x9a: {  	[bflag:$0x3] =	sbarrier.arrive $0xFFFF  }
0x9b: {  	_ =	shalt  }

</sc_bundles>
